<compile_context>
chip_gen: v7x
topology: tpu7x:2x2x1
jax: 0.10.2.dev20260603
libtpu: 0.0.44.dev20260713+nightly
codegen_flags: <defaults>
</compile_context>

<pallas_src>
import functools

import jax
import jax.numpy as jnp
from jax import lax
from jax.experimental import pallas as pl
from jax.experimental.pallas import tpu as pltpu
from jax.experimental.pallas import tpu_sc as plsc

_EMBED = 20
_NROWS = 22


def _sc_body(table_hbm, pack_hbm, o1_hbm, o2_hbm, pack_v, rows_v, o_v, sem):
    c = lax.axis_index("c")
    s = lax.axis_index("s")

    @pl.when(jnp.logical_and(c == 0, s == 0))
    def _():
        pltpu.sync_copy(pack_hbm, pack_v)
        lanes = lax.iota(jnp.int32, 16)
        r0 = jnp.zeros((16,), jnp.int32)
        i0a = plsc.bitcast(plsc.load_gather(pack_v, [r0, lanes]), jnp.int32)
        i0b = plsc.bitcast(plsc.load_gather(pack_v, [r0, lanes + 4]), jnp.int32)
        i1 = plsc.bitcast(plsc.load_gather(pack_v, [r0 + 1, lanes]), jnp.int32)
        copies = []
        for k in range(10):
            copies.append(pltpu.async_copy(
                table_hbm.at[pl.ds(i0a[k], 1), :],
                rows_v.at[pl.ds(k, 1), :], sem))
        for k in range(10):
            src = i0a[10 + k] if k < 6 else i0b[6 + k]
            copies.append(pltpu.async_copy(
                table_hbm.at[pl.ds(src, 1), :],
                rows_v.at[pl.ds(10 + k, 1), :], sem))
        copies.append(pltpu.async_copy(
            table_hbm.at[pl.ds(i1[0], 1), :], rows_v.at[pl.ds(20, 1), :], sem))
        copies.append(pltpu.async_copy(
            table_hbm.at[pl.ds(i1[1], 1), :], rows_v.at[pl.ds(21, 1), :], sem))

        jidx = jnp.minimum(lanes, 9)
        slot1 = jidx
        slot2 = 10 + jidx
        row_w3 = jnp.full((16,), 12, jnp.int32)
        row_b = jnp.full((16,), 13, jnp.int32)

        w3a = plsc.load_gather(pack_v, [row_w3, lanes])
        w3b = plsc.load_gather(pack_v, [row_w3, lanes + 4])
        bv = plsc.load_gather(pack_v, [row_b, jidx])
        b3a = plsc.load_gather(pack_v, [row_b, lanes])

        for cp in copies:
            cp.wait()

        e1a = plsc.load_gather(rows_v, [jnp.full((16,), 20, jnp.int32), lanes])
        e1b = plsc.load_gather(rows_v, [jnp.full((16,), 20, jnp.int32), lanes + 4])
        e2a = plsc.load_gather(rows_v, [jnp.full((16,), 21, jnp.int32), lanes])
        e2b = plsc.load_gather(rows_v, [jnp.full((16,), 21, jnp.int32), lanes + 4])

        acc1 = jnp.zeros((16,), jnp.float32)
        acc2 = jnp.zeros((16,), jnp.float32)
        acc3 = jnp.zeros((16,), jnp.float32)
        acc4 = jnp.zeros((16,), jnp.float32)
        for d in range(_EMBED):
            dvec = jnp.full((16,), d, jnp.int32)
            wv = plsc.load_gather(pack_v, [2 + jidx, dvec])
            v3 = plsc.load_gather(rows_v, [slot1, dvec])
            v4 = plsc.load_gather(rows_v, [slot2, dvec])
            w3 = w3a[d] if d < 16 else w3b[d - 4]
            e1 = e1a[d] if d < 16 else e1b[d - 4]
            e2 = e2a[d] if d < 16 else e2b[d - 4]
            acc1 = acc1 + e1 * wv
            acc2 = acc2 + e2 * wv
            acc3 = acc3 + v3 * w3
            acc4 = acc4 + v4 * w3

        bias = bv + b3a[10]
        o_v[0:16] = acc1 + acc3 + bias
        o_v[16:32] = acc2 + acc4 + bias
        pltpu.sync_copy(o_v.at[0:10], o1_hbm.at[0])
        pltpu.sync_copy(o_v.at[16:26], o2_hbm.at[0])


@functools.lru_cache(maxsize=1)
def _sc_call():
    return functools.partial(
        pl.kernel,
        mesh=plsc.VectorSubcoreMesh(core_axis_name="c", subcore_axis_name="s",
                                    num_cores=1, num_subcores=1),
        compiler_params=pltpu.CompilerParams(
            needs_layout_passes=False, use_tc_tiling_on_sc=True),
        out_type=[jax.ShapeDtypeStruct((1, 10), jnp.float32),
                  jax.ShapeDtypeStruct((1, 10), jnp.float32)],
        scratch_types=[
            pltpu.VMEM((14, _EMBED), jnp.float32),
            pltpu.VMEM((_NROWS, _EMBED), jnp.float32),
            pltpu.VMEM((32,), jnp.float32),
            pltpu.SemaphoreType.DMA,
        ],
    )(_sc_body)


def kernel(DPTD_name_1, DPTD_name_2, DPTD_word_1, DPTD_word_2,
           table, W, b, W3, b3):
    wf1 = lax.bitcast_convert_type(DPTD_word_1.astype(jnp.int32), jnp.float32)
    wf2 = lax.bitcast_convert_type(DPTD_word_2.astype(jnp.int32), jnp.float32)
    nf = lax.bitcast_convert_type(
        jnp.stack([jnp.asarray(DPTD_name_1, jnp.int32),
                   jnp.asarray(DPTD_name_2, jnp.int32)]), jnp.float32)
    pack = jnp.concatenate([
        wf1, wf2,
        nf, jnp.zeros((18,), jnp.float32),
        W.reshape(-1),
        W3.reshape(-1),
        b, b3, jnp.zeros((9,), jnp.float32),
    ]).reshape(14, _EMBED)

    r1, r2 = _sc_call()(table, pack)
    return (r1, r2)

# --- scband reference (transcript-rebuilt; emitter-appended) ---
"""Pipeline reference for scband-word-calculate-38732015075362 (READ-ONLY COPY).

The authoritative reference and input builder live on the scoring server;
editing this copy changes nothing except your own understanding.
"""

import jax, jax.numpy as jnp
import numpy as np

VOCAB = 1000
EMBED_DIM = 20

def setup_inputs(seed: int = 0) -> dict:
    key = jax.random.key(seed)
    ks = jax.random.split(key, 8)
    table = jax.random.normal(ks[0], (VOCAB, EMBED_DIM), dtype=jnp.float32)
    W = jax.random.normal(ks[1], (10, EMBED_DIM), dtype=jnp.float32) * 0.1
    b = jax.random.normal(ks[2], (10,), dtype=jnp.float32) * 0.1
    W3 = jax.random.normal(ks[3], (1, EMBED_DIM), dtype=jnp.float32) * 0.1
    b3 = jax.random.normal(ks[4], (1,), dtype=jnp.float32) * 0.1
    word1 = jax.random.randint(ks[5], (10,), 0, VOCAB, dtype=jnp.int32)
    word2 = jax.random.randint(ks[6], (10,), 0, VOCAB, dtype=jnp.int32)
    return {
        "DPTD_name_1": 7,
        "DPTD_name_2": 42,
        "DPTD_word_1": word1,
        "DPTD_word_2": word2,
        "table": table,
        "W": W,
        "b": b,
        "W3": W3,
        "b3": b3,
    }

def reference(DPTD_name_1, DPTD_name_2, DPTD_word_1, DPTD_word_2, table, W, b, W3, b3):
    # embedding lookups
    e1 = jnp.take(table, jnp.array([DPTD_name_1], dtype=jnp.int32), axis=0)  # [1, 20]
    e2 = jnp.take(table, jnp.array([DPTD_name_2], dtype=jnp.int32), axis=0)  # [1, 20]
    e3 = jnp.take(table, DPTD_word_1, axis=0)  # [10, 20]
    e4 = jnp.take(table, DPTD_word_2, axis=0)  # [10, 20]
    # linear layers (torch Linear: x @ W.T + b)
    s1 = e1 @ W.T + b                          # [1, 10]
    s2 = e2 @ W.T + b                          # [1, 10]
    s3 = (e3 @ W3.T + b3).reshape(1, 10)       # [1, 10]
    s4 = (e4 @ W3.T + b3).reshape(1, 10)       # [1, 10]
    out1 = s1 + s3
    out2 = s2 + s4
    return (out1, out2)

if __name__ == "__main__":
    import jax
    _d = setup_inputs()
    print(jax.jit(kernel)(*tuple(_d.values())))

</pallas_src>

<mosaic_0001>
#map = affine_map<(d0, d1) -> (0, 0)>
module attributes {stable_mosaic.version = 14 : i64} {
  func.func @_sc_body(%arg0: i32, %arg1: i32, %arg2: memref<1000x20xf32, #tpu.memory_space<hbm>>, %arg3: memref<14x20xf32, #tpu.memory_space<hbm>>, %arg4: memref<1x10xf32, #tpu.memory_space<hbm>>, %arg5: memref<1x10xf32, #tpu.memory_space<hbm>>, %arg6: memref<14x20xf32, #tpu.memory_space<vmem>>, %arg7: memref<22x20xf32, #tpu.memory_space<vmem>>, %arg8: memref<32xf32, #tpu.memory_space<vmem>>, %arg9: memref<!tpu.dma_semaphore, #tpu.memory_space<semaphore_mem>>) attributes {dimension_semantics = [#tpu.dimension_semantics<core_parallel>, #tpu.dimension_semantics<subcore_parallel>], iteration_bounds = array<i64: 1, 1>, scalar_prefetch = 0 : i64, scratch_operands = 4 : i64, tpu.core_type = #tpu.core_type<sc_vector_subcore>, window_params = [{transform_indices = #map}, {transform_indices = #map}, {transform_indices = #map}, {transform_indices = #map}]} {
    %eq3A = arith.constant 0 : i32
    %eq3A_0 = arith.cmpi eq, %arg0, %eq3A : i32
    %eq3A_1 = arith.constant 0 : i32
    %eq3A_2 = arith.cmpi eq, %arg1, %eq3A_1 : i32
    %and3A = arith.andi %eq3A_0, %eq3A_2 : i1
    %convert_element_type3A = arith.extui %and3A : i1 to i32
    %cond3A = arith.constant 0 : i32
    %cond3A_3 = arith.cmpi ne, %convert_element_type3A, %cond3A : i32
    scf.if %cond3A_3 {
      "tpu.region"() ({
        %run_scoped3A_1067 = tpu.sem_alloc : memref<!tpu.dma_semaphore, #tpu.memory_space<semaphore_mem>>
        tpu.enqueue_dma source(%arg3 : memref<14x20xf32, #tpu.memory_space<hbm>>) target(%arg6 : memref<14x20xf32, #tpu.memory_space<vmem>>) target_semaphore(%run_scoped3A_1067 : memref<!tpu.dma_semaphore, #tpu.memory_space<semaphore_mem>>)
        tpu.wait_dma2 semaphore(%run_scoped3A_1067 : memref<!tpu.dma_semaphore, #tpu.memory_space<semaphore_mem>>) src(%arg3 : memref<14x20xf32, #tpu.memory_space<hbm>>) dst(%arg6 : memref<14x20xf32, #tpu.memory_space<vmem>>)
        tpu.yield
      }) : () -> ()
      %iota3A = tpu.iota {dimensions = array<i32: 0>} : vector<16xi32>
      %broadcast_in_dim3A = arith.constant 0 : i32
      %broadcast_in_dim3A_4 = vector.broadcast %broadcast_in_dim3A : i32 to vector<16xi32>
      %gather3A = tpu.vector_load_idx %arg6[%broadcast_in_dim3A_4, %iota3A] : memref<14x20xf32, #tpu.memory_space<vmem>>[vector<16xi32>, vector<16xi32>], vector<16xf32>,
      %bitcast3A = vector.bitcast %gather3A : vector<16xf32> to vector<16xi32>
      %add3A = arith.constant 4 : i32
      %add3A_5 = vector.broadcast %add3A : i32 to vector<16xi32>
      %add3A_6 = arith.addi %iota3A, %add3A_5 : vector<16xi32>
      %gather3A_7 = tpu.vector_load_idx %arg6[%broadcast_in_dim3A_4, %add3A_6] : memref<14x20xf32, #tpu.memory_space<vmem>>[vector<16xi32>, vector<16xi32>], vector<16xf32>,
      %bitcast3A_8 = vector.bitcast %gather3A_7 : vector<16xf32> to vector<16xi32>
      %add3A_9 = arith.constant 1 : i32
      %add3A_10 = vector.broadcast %add3A_9 : i32 to vector<16xi32>
      %add3A_11 = arith.addi %broadcast_in_dim3A_4, %add3A_10 : vector<16xi32>
      %gather3A_12 = tpu.vector_load_idx %arg6[%add3A_11, %iota3A] : memref<14x20xf32, #tpu.memory_space<vmem>>[vector<16xi32>, vector<16xi32>], vector<16xf32>,
      %bitcast3A_13 = vector.bitcast %gather3A_12 : vector<16xf32> to vector<16xi32>
      %slice3A = vector.extract_strided_slice %bitcast3A {offsets = [0], sizes = [1], strides = [1]} : vector<16xi32> to vector<1xi32>
      %squeeze3A = vector.extract %slice3A[0] : i32 from vector<1xi32>
      %dma_start3A = arith.constant 0 : i32
      %dma_start3A_14 = arith.constant 0 : i32
      %dma_start3A_15 = tpu.memref_slice %arg7[%dma_start3A, %dma_start3A_14] : memref<22x20xf32, #tpu.memory_space<vmem>> -> memref<1x20xf32, #tpu.memory_space<vmem>>
      %dma_start3A_16 = arith.constant 0 : i32
      %dma_start3A_17 = tpu.memref_slice %arg2[%squeeze3A, %dma_start3A_16] : memref<1000x20xf32, #tpu.memory_space<hbm>> -> memref<1x20xf32, #tpu.memory_space<hbm>>
      %dma_start3A_18 = arith.constant 0 : i32
      %dma_start3A_19 = arith.constant 0 : i32
      %dma_start3A_20 = tpu.memref_slice %arg7[%dma_start3A_18, %dma_start3A_19] : memref<22x20xf32, #tpu.memory_space<vmem>> -> memref<1x20xf32, #tpu.memory_space<vmem>>
      %dma_start3A_21 = arith.constant 0 : i32
      %dma_start3A_22 = tpu.memref_slice %arg2[%squeeze3A, %dma_start3A_21] : memref<1000x20xf32, #tpu.memory_space<hbm>> -> memref<1x20xf32, #tpu.memory_space<hbm>>
      tpu.enqueue_dma source(%dma_start3A_22 : memref<1x20xf32, #tpu.memory_space<hbm>>) target(%dma_start3A_20 : memref<1x20xf32, #tpu.memory_space<vmem>>) target_semaphore(%arg9 : memref<!tpu.dma_semaphore, #tpu.memory_space<semaphore_mem>>)
      %slice3A_23 = vector.extract_strided_slice %bitcast3A {offsets = [1], sizes = [1], strides = [1]} : vector<16xi32> to vector<1xi32>
      %squeeze3A_24 = vector.extract %slice3A_23[0] : i32 from vector<1xi32>
      %dma_start3A_25 = arith.constant 1 : i32
      %dma_start3A_26 = arith.constant 0 : i32
      %dma_start3A_27 = tpu.memref_slice %arg7[%dma_start3A_25, %dma_start3A_26] : memref<22x20xf32, #tpu.memory_space<vmem>> -> memref<1x20xf32, #tpu.memory_space<vmem>>
      %dma_start3A_28 = arith.constant 0 : i32
      %dma_start3A_29 = tpu.memref_slice %arg2[%squeeze3A_24, %dma_start3A_28] : memref<1000x20xf32, #tpu.memory_space<hbm>> -> memref<1x20xf32, #tpu.memory_space<hbm>>
      %dma_start3A_30 = arith.constant 1 : i32
      %dma_start3A_31 = arith.constant 0 : i32
      %dma_start3A_32 = tpu.memref_slice %arg7[%dma_start3A_30, %dma_start3A_31] : memref<22x20xf32, #tpu.memory_space<vmem>> -> memref<1x20xf32, #tpu.memory_space<vmem>>
      %dma_start3A_33 = arith.constant 0 : i32
      %dma_start3A_34 = tpu.memref_slice %arg2[%squeeze3A_24, %dma_start3A_33] : memref<1000x20xf32, #tpu.memory_space<hbm>> -> memref<1x20xf32, #tpu.memory_space<hbm>>
      tpu.enqueue_dma source(%dma_start3A_34 : memref<1x20xf32, #tpu.memory_space<hbm>>) target(%dma_start3A_32 : memref<1x20xf32, #tpu.memory_space<vmem>>) target_semaphore(%arg9 : memref<!tpu.dma_semaphore, #tpu.memory_space<semaphore_mem>>)
      %slice3A_35 = vector.extract_strided_slice %bitcast3A {offsets = [2], sizes = [1], strides = [1]} : vector<16xi32> to vector<1xi32>
      %squeeze3A_36 = vector.extract %slice3A_35[0] : i32 from vector<1xi32>
      %dma_start3A_37 = arith.constant 2 : i32
      %dma_start3A_38 = arith.constant 0 : i32
      %dma_start3A_39 = tpu.memref_slice %arg7[%dma_start3A_37, %dma_start3A_38] : memref<22x20xf32, #tpu.memory_space<vmem>> -> memref<1x20xf32, #tpu.memory_space<vmem>>
      %dma_start3A_40 = arith.constant 0 : i32
      %dma_start3A_41 = tpu.memref_slice %arg2[%squeeze3A_36, %dma_start3A_40] : memref<1000x20xf32, #tpu.memory_space<hbm>> -> memref<1x20xf32, #tpu.memory_space<hbm>>
      %dma_start3A_42 = arith.constant 2 : i32
      %dma_start3A_43 = arith.constant 0 : i32
      %dma_start3A_44 = tpu.memref_slice %arg7[%dma_start3A_42, %dma_start3A_43] : memref<22x20xf32, #tpu.memory_space<vmem>> -> memref<1x20xf32, #tpu.memory_space<vmem>>
      %dma_start3A_45 = arith.constant 0 : i32
      %dma_start3A_46 = tpu.memref_slice %arg2[%squeeze3A_36, %dma_start3A_45] : memref<1000x20xf32, #tpu.memory_space<hbm>> -> memref<1x20xf32, #tpu.memory_space<hbm>>
      tpu.enqueue_dma source(%dma_start3A_46 : memref<1x20xf32, #tpu.memory_space<hbm>>) target(%dma_start3A_44 : memref<1x20xf32, #tpu.memory_space<vmem>>) target_semaphore(%arg9 : memref<!tpu.dma_semaphore, #tpu.memory_space<semaphore_mem>>)
      %slice3A_47 = vector.extract_strided_slice %bitcast3A {offsets = [3], sizes = [1], strides = [1]} : vector<16xi32> to vector<1xi32>
      %squeeze3A_48 = vector.extract %slice3A_47[0] : i32 from vector<1xi32>
      %dma_start3A_49 = arith.constant 3 : i32
      %dma_start3A_50 = arith.constant 0 : i32
      %dma_start3A_51 = tpu.memref_slice %arg7[%dma_start3A_49, %dma_start3A_50] : memref<22x20xf32, #tpu.memory_space<vmem>> -> memref<1x20xf32, #tpu.memory_space<vmem>>
      %dma_start3A_52 = arith.constant 0 : i32
      %dma_start3A_53 = tpu.memref_slice %arg2[%squeeze3A_48, %dma_start3A_52] : memref<1000x20xf32, #tpu.memory_space<hbm>> -> memref<1x20xf32, #tpu.memory_space<hbm>>
      %dma_start3A_54 = arith.constant 3 : i32
      %dma_start3A_55 = arith.constant 0 : i32
      %dma_start3A_56 = tpu.memref_slice %arg7[%dma_start3A_54, %dma_start3A_55] : memref<22x20xf32, #tpu.memory_space<vmem>> -> memref<1x20xf32, #tpu.memory_space<vmem>>
      %dma_start3A_57 = arith.constant 0 : i32
      %dma_start3A_58 = tpu.memref_slice %arg2[%squeeze3A_48, %dma_start3A_57] : memref<1000x20xf32, #tpu.memory_space<hbm>> -> memref<1x20xf32, #tpu.memory_space<hbm>>
      tpu.enqueue_dma source(%dma_start3A_58 : memref<1x20xf32, #tpu.memory_space<hbm>>) target(%dma_start3A_56 : memref<1x20xf32, #tpu.memory_space<vmem>>) target_semaphore(%arg9 : memref<!tpu.dma_semaphore, #tpu.memory_space<semaphore_mem>>)
      %slice3A_59 = vector.extract_strided_slice %bitcast3A {offsets = [4], sizes = [1], strides = [1]} : vector<16xi32> to vector<1xi32>
      %squeeze3A_60 = vector.extract %slice3A_59[0] : i32 from vector<1xi32>
      %dma_start3A_61 = arith.constant 4 : i32
      %dma_start3A_62 = arith.constant 0 : i32
      %dma_start3A_63 = tpu.memref_slice %arg7[%dma_start3A_61, %dma_start3A_62] : memref<22x20xf32, #tpu.memory_space<vmem>> -> memref<1x20xf32, #tpu.memory_space<vmem>>
      %dma_start3A_64 = arith.constant 0 : i32
      %dma_start3A_65 = tpu.memref_slice %arg2[%squeeze3A_60, %dma_start3A_64] : memref<1000x20xf32, #tpu.memory_space<hbm>> -> memref<1x20xf32, #tpu.memory_space<hbm>>
      %dma_start3A_66 = arith.constant 4 : i32
      %dma_start3A_67 = arith.constant 0 : i32
      %dma_start3A_68 = tpu.memref_slice %arg7[%dma_start3A_66, %dma_start3A_67] : memref<22x20xf32, #tpu.memory_space<vmem>> -> memref<1x20xf32, #tpu.memory_space<vmem>>
      %dma_start3A_69 = arith.constant 0 : i32
      %dma_start3A_70 = tpu.memref_slice %arg2[%squeeze3A_60, %dma_start3A_69] : memref<1000x20xf32, #tpu.memory_space<hbm>> -> memref<1x20xf32, #tpu.memory_space<hbm>>
      tpu.enqueue_dma source(%dma_start3A_70 : memref<1x20xf32, #tpu.memory_space<hbm>>) target(%dma_start3A_68 : memref<1x20xf32, #tpu.memory_space<vmem>>) target_semaphore(%arg9 : memref<!tpu.dma_semaphore, #tpu.memory_space<semaphore_mem>>)
      %slice3A_71 = vector.extract_strided_slice %bitcast3A {offsets = [5], sizes = [1], strides = [1]} : vector<16xi32> to vector<1xi32>
      %squeeze3A_72 = vector.extract %slice3A_71[0] : i32 from vector<1xi32>
      %dma_start3A_73 = arith.constant 5 : i32
      %dma_start3A_74 = arith.constant 0 : i32
      %dma_start3A_75 = tpu.memref_slice %arg7[%dma_start3A_73, %dma_start3A_74] : memref<22x20xf32, #tpu.memory_space<vmem>> -> memref<1x20xf32, #tpu.memory_space<vmem>>
      %dma_start3A_76 = arith.constant 0 : i32
      %dma_start3A_77 = tpu.memref_slice %arg2[%squeeze3A_72, %dma_start3A_76] : memref<1000x20xf32, #tpu.memory_space<hbm>> -> memref<1x20xf32, #tpu.memory_space<hbm>>
      %dma_start3A_78 = arith.constant 5 : i32
      %dma_start3A_79 = arith.constant 0 : i32
      %dma_start3A_80 = tpu.memref_slice %arg7[%dma_start3A_78, %dma_start3A_79] : memref<22x20xf32, #tpu.memory_space<vmem>> -> memref<1x20xf32, #tpu.memory_space<vmem>>
      %dma_start3A_81 = arith.constant 0 : i32
      %dma_start3A_82 = tpu.memref_slice %arg2[%squeeze3A_72, %dma_start3A_81] : memref<1000x20xf32, #tpu.memory_space<hbm>> -> memref<1x20xf32, #tpu.memory_space<hbm>>
      tpu.enqueue_dma source(%dma_start3A_82 : memref<1x20xf32, #tpu.memory_space<hbm>>) target(%dma_start3A_80 : memref<1x20xf32, #tpu.memory_space<vmem>>) target_semaphore(%arg9 : memref<!tpu.dma_semaphore, #tpu.memory_space<semaphore_mem>>)
      %slice3A_83 = vector.extract_strided_slice %bitcast3A {offsets = [6], sizes = [1], strides = [1]} : vector<16xi32> to vector<1xi32>
      %squeeze3A_84 = vector.extract %slice3A_83[0] : i32 from vector<1xi32>
      %dma_start3A_85 = arith.constant 6 : i32
      %dma_start3A_86 = arith.constant 0 : i32
      %dma_start3A_87 = tpu.memref_slice %arg7[%dma_start3A_85, %dma_start3A_86] : memref<22x20xf32, #tpu.memory_space<vmem>> -> memref<1x20xf32, #tpu.memory_space<vmem>>
      %dma_start3A_88 = arith.constant 0 : i32
      %dma_start3A_89 = tpu.memref_slice %arg2[%squeeze3A_84, %dma_start3A_88] : memref<1000x20xf32, #tpu.memory_space<hbm>> -> memref<1x20xf32, #tpu.memory_space<hbm>>
      %dma_start3A_90 = arith.constant 6 : i32
      %dma_start3A_91 = arith.constant 0 : i32
      %dma_start3A_92 = tpu.memref_slice %arg7[%dma_start3A_90, %dma_start3A_91] : memref<22x20xf32, #tpu.memory_space<vmem>> -> memref<1x20xf32, #tpu.memory_space<vmem>>
      %dma_start3A_93 = arith.constant 0 : i32
      %dma_start3A_94 = tpu.memref_slice %arg2[%squeeze3A_84, %dma_start3A_93] : memref<1000x20xf32, #tpu.memory_space<hbm>> -> memref<1x20xf32, #tpu.memory_space<hbm>>
      tpu.enqueue_dma source(%dma_start3A_94 : memref<1x20xf32, #tpu.memory_space<hbm>>) target(%dma_start3A_92 : memref<1x20xf32, #tpu.memory_space<vmem>>) target_semaphore(%arg9 : memref<!tpu.dma_semaphore, #tpu.memory_space<semaphore_mem>>)
      %slice3A_95 = vector.extract_strided_slice %bitcast3A {offsets = [7], sizes = [1], strides = [1]} : vector<16xi32> to vector<1xi32>
      %squeeze3A_96 = vector.extract %slice3A_95[0] : i32 from vector<1xi32>
      %dma_start3A_97 = arith.constant 7 : i32
      %dma_start3A_98 = arith.constant 0 : i32
      %dma_start3A_99 = tpu.memref_slice %arg7[%dma_start3A_97, %dma_start3A_98] : memref<22x20xf32, #tpu.memory_space<vmem>> -> memref<1x20xf32, #tpu.memory_space<vmem>>
      %dma_start3A_100 = arith.constant 0 : i32
      %dma_start3A_101 = tpu.memref_slice %arg2[%squeeze3A_96, %dma_start3A_100] : memref<1000x20xf32, #tpu.memory_space<hbm>> -> memref<1x20xf32, #tpu.memory_space<hbm>>
      %dma_start3A_102 = arith.constant 7 : i32
      %dma_start3A_103 = arith.constant 0 : i32
      %dma_start3A_104 = tpu.memref_slice %arg7[%dma_start3A_102, %dma_start3A_103] : memref<22x20xf32, #tpu.memory_space<vmem>> -> memref<1x20xf32, #tpu.memory_space<vmem>>
      %dma_start3A_105 = arith.constant 0 : i32
      %dma_start3A_106 = tpu.memref_slice %arg2[%squeeze3A_96, %dma_start3A_105] : memref<1000x20xf32, #tpu.memory_space<hbm>> -> memref<1x20xf32, #tpu.memory_space<hbm>>
      tpu.enqueue_dma source(%dma_start3A_106 : memref<1x20xf32, #tpu.memory_space<hbm>>) target(%dma_start3A_104 : memref<1x20xf32, #tpu.memory_space<vmem>>) target_semaphore(%arg9 : memref<!tpu.dma_semaphore, #tpu.memory_space<semaphore_mem>>)
      %slice3A_107 = vector.extract_strided_slice %bitcast3A {offsets = [8], sizes = [1], strides = [1]} : vector<16xi32> to vector<1xi32>
      %squeeze3A_108 = vector.extract %slice3A_107[0] : i32 from vector<1xi32>
      %dma_start3A_109 = arith.constant 8 : i32
      %dma_start3A_110 = arith.constant 0 : i32
      %dma_start3A_111 = tpu.memref_slice %arg7[%dma_start3A_109, %dma_start3A_110] : memref<22x20xf32, #tpu.memory_space<vmem>> -> memref<1x20xf32, #tpu.memory_space<vmem>>
      %dma_start3A_112 = arith.constant 0 : i32
      %dma_start3A_113 = tpu.memref_slice %arg2[%squeeze3A_108, %dma_start3A_112] : memref<1000x20xf32, #tpu.memory_space<hbm>> -> memref<1x20xf32, #tpu.memory_space<hbm>>
      %dma_start3A_114 = arith.constant 8 : i32
      %dma_start3A_115 = arith.constant 0 : i32
      %dma_start3A_116 = tpu.memref_slice %arg7[%dma_start3A_114, %dma_start3A_115] : memref<22x20xf32, #tpu.memory_space<vmem>> -> memref<1x20xf32, #tpu.memory_space<vmem>>
      %dma_start3A_117 = arith.constant 0 : i32
      %dma_start3A_118 = tpu.memref_slice %arg2[%squeeze3A_108, %dma_start3A_117] : memref<1000x20xf32, #tpu.memory_space<hbm>> -> memref<1x20xf32, #tpu.memory_space<hbm>>
      tpu.enqueue_dma source(%dma_start3A_118 : memref<1x20xf32, #tpu.memory_space<hbm>>) target(%dma_start3A_116 : memref<1x20xf32, #tpu.memory_space<vmem>>) target_semaphore(%arg9 : memref<!tpu.dma_semaphore, #tpu.memory_space<semaphore_mem>>)
      %slice3A_119 = vector.extract_strided_slice %bitcast3A {offsets = [9], sizes = [1], strides = [1]} : vector<16xi32> to vector<1xi32>
      %squeeze3A_120 = vector.extract %slice3A_119[0] : i32 from vector<1xi32>
      %dma_start3A_121 = arith.constant 9 : i32
      %dma_start3A_122 = arith.constant 0 : i32
      %dma_start3A_123 = tpu.memref_slice %arg7[%dma_start3A_121, %dma_start3A_122] : memref<22x20xf32, #tpu.memory_space<vmem>> -> memref<1x20xf32, #tpu.memory_space<vmem>>
      %dma_start3A_124 = arith.constant 0 : i32
      %dma_start3A_125 = tpu.memref_slice %arg2[%squeeze3A_120, %dma_start3A_124] : memref<1000x20xf32, #tpu.memory_space<hbm>> -> memref<1x20xf32, #tpu.memory_space<hbm>>
      %dma_start3A_126 = arith.constant 9 : i32
      %dma_start3A_127 = arith.constant 0 : i32
      %dma_start3A_128 = tpu.memref_slice %arg7[%dma_start3A_126, %dma_start3A_127] : memref<22x20xf32, #tpu.memory_space<vmem>> -> memref<1x20xf32, #tpu.memory_space<vmem>>
      %dma_start3A_129 = arith.constant 0 : i32
      %dma_start3A_130 = tpu.memref_slice %arg2[%squeeze3A_120, %dma_start3A_129] : memref<1000x20xf32, #tpu.memory_space<hbm>> -> memref<1x20xf32, #tpu.memory_space<hbm>>
      tpu.enqueue_dma source(%dma_start3A_130 : memref<1x20xf32, #tpu.memory_space<hbm>>) target(%dma_start3A_128 : memref<1x20xf32, #tpu.memory_space<vmem>>) target_semaphore(%arg9 : memref<!tpu.dma_semaphore, #tpu.memory_space<semaphore_mem>>)
      %slice3A_131 = vector.extract_strided_slice %bitcast3A {offsets = [10], sizes = [1], strides = [1]} : vector<16xi32> to vector<1xi32>
      %squeeze3A_132 = vector.extract %slice3A_131[0] : i32 from vector<1xi32>
      %dma_start3A_133 = arith.constant 10 : i32
      %dma_start3A_134 = arith.constant 0 : i32
      %dma_start3A_135 = tpu.memref_slice %arg7[%dma_start3A_133, %dma_start3A_134] : memref<22x20xf32, #tpu.memory_space<vmem>> -> memref<1x20xf32, #tpu.memory_space<vmem>>
      %dma_start3A_136 = arith.constant 0 : i32
      %dma_start3A_137 = tpu.memref_slice %arg2[%squeeze3A_132, %dma_start3A_136] : memref<1000x20xf32, #tpu.memory_space<hbm>> -> memref<1x20xf32, #tpu.memory_space<hbm>>
      %dma_start3A_138 = arith.constant 10 : i32
      %dma_start3A_139 = arith.constant 0 : i32
      %dma_start3A_140 = tpu.memref_slice %arg7[%dma_start3A_138, %dma_start3A_139] : memref<22x20xf32, #tpu.memory_space<vmem>> -> memref<1x20xf32, #tpu.memory_space<vmem>>
      %dma_start3A_141 = arith.constant 0 : i32
      %dma_start3A_142 = tpu.memref_slice %arg2[%squeeze3A_132, %dma_start3A_141] : memref<1000x20xf32, #tpu.memory_space<hbm>> -> memref<1x20xf32, #tpu.memory_space<hbm>>
      tpu.enqueue_dma source(%dma_start3A_142 : memref<1x20xf32, #tpu.memory_space<hbm>>) target(%dma_start3A_140 : memref<1x20xf32, #tpu.memory_space<vmem>>) target_semaphore(%arg9 : memref<!tpu.dma_semaphore, #tpu.memory_space<semaphore_mem>>)
      %slice3A_143 = vector.extract_strided_slice %bitcast3A {offsets = [11], sizes = [1], strides = [1]} : vector<16xi32> to vector<1xi32>
      %squeeze3A_144 = vector.extract %slice3A_143[0] : i32 from vector<1xi32>
      %dma_start3A_145 = arith.constant 11 : i32
      %dma_start3A_146 = arith.constant 0 : i32
      %dma_start3A_147 = tpu.memref_slice %arg7[%dma_start3A_145, %dma_start3A_146] : memref<22x20xf32, #tpu.memory_space<vmem>> -> memref<1x20xf32, #tpu.memory_space<vmem>>
      %dma_start3A_148 = arith.constant 0 : i32
      %dma_start3A_149 = tpu.memref_slice %arg2[%squeeze3A_144, %dma_start3A_148] : memref<1000x20xf32, #tpu.memory_space<hbm>> -> memref<1x20xf32, #tpu.memory_space<hbm>>
      %dma_start3A_150 = arith.constant 11 : i32
      %dma_start3A_151 = arith.constant 0 : i32
      %dma_start3A_152 = tpu.memref_slice %arg7[%dma_start3A_150, %dma_start3A_151] : memref<22x20xf32, #tpu.memory_space<vmem>> -> memref<1x20xf32, #tpu.memory_space<vmem>>
      %dma_start3A_153 = arith.constant 0 : i32
      %dma_start3A_154 = tpu.memref_slice %arg2[%squeeze3A_144, %dma_start3A_153] : memref<1000x20xf32, #tpu.memory_space<hbm>> -> memref<1x20xf32, #tpu.memory_space<hbm>>
      tpu.enqueue_dma source(%dma_start3A_154 : memref<1x20xf32, #tpu.memory_space<hbm>>) target(%dma_start3A_152 : memref<1x20xf32, #tpu.memory_space<vmem>>) target_semaphore(%arg9 : memref<!tpu.dma_semaphore, #tpu.memory_space<semaphore_mem>>)
      %slice3A_155 = vector.extract_strided_slice %bitcast3A {offsets = [12], sizes = [1], strides = [1]} : vector<16xi32> to vector<1xi32>
      %squeeze3A_156 = vector.extract %slice3A_155[0] : i32 from vector<1xi32>
      %dma_start3A_157 = arith.constant 12 : i32
      %dma_start3A_158 = arith.constant 0 : i32
      %dma_start3A_159 = tpu.memref_slice %arg7[%dma_start3A_157, %dma_start3A_158] : memref<22x20xf32, #tpu.memory_space<vmem>> -> memref<1x20xf32, #tpu.memory_space<vmem>>
      %dma_start3A_160 = arith.constant 0 : i32
      %dma_start3A_161 = tpu.memref_slice %arg2[%squeeze3A_156, %dma_start3A_160] : memref<1000x20xf32, #tpu.memory_space<hbm>> -> memref<1x20xf32, #tpu.memory_space<hbm>>
      %dma_start3A_162 = arith.constant 12 : i32
      %dma_start3A_163 = arith.constant 0 : i32
      %dma_start3A_164 = tpu.memref_slice %arg7[%dma_start3A_162, %dma_start3A_163] : memref<22x20xf32, #tpu.memory_space<vmem>> -> memref<1x20xf32, #tpu.memory_space<vmem>>
      %dma_start3A_165 = arith.constant 0 : i32
      %dma_start3A_166 = tpu.memref_slice %arg2[%squeeze3A_156, %dma_start3A_165] : memref<1000x20xf32, #tpu.memory_space<hbm>> -> memref<1x20xf32, #tpu.memory_space<hbm>>
      tpu.enqueue_dma source(%dma_start3A_166 : memref<1x20xf32, #tpu.memory_space<hbm>>) target(%dma_start3A_164 : memref<1x20xf32, #tpu.memory_space<vmem>>) target_semaphore(%arg9 : memref<!tpu.dma_semaphore, #tpu.memory_space<semaphore_mem>>)
      %slice3A_167 = vector.extract_strided_slice %bitcast3A {offsets = [13], sizes = [1], strides = [1]} : vector<16xi32> to vector<1xi32>
      %squeeze3A_168 = vector.extract %slice3A_167[0] : i32 from vector<1xi32>
      %dma_start3A_169 = arith.constant 13 : i32
      %dma_start3A_170 = arith.constant 0 : i32
      %dma_start3A_171 = tpu.memref_slice %arg7[%dma_start3A_169, %dma_start3A_170] : memref<22x20xf32, #tpu.memory_space<vmem>> -> memref<1x20xf32, #tpu.memory_space<vmem>>
      %dma_start3A_172 = arith.constant 0 : i32
      %dma_start3A_173 = tpu.memref_slice %arg2[%squeeze3A_168, %dma_start3A_172] : memref<1000x20xf32, #tpu.memory_space<hbm>> -> memref<1x20xf32, #tpu.memory_space<hbm>>
      %dma_start3A_174 = arith.constant 13 : i32
      %dma_start3A_175 = arith.constant 0 : i32
      %dma_start3A_176 = tpu.memref_slice %arg7[%dma_start3A_174, %dma_start3A_175] : memref<22x20xf32, #tpu.memory_space<vmem>> -> memref<1x20xf32, #tpu.memory_space<vmem>>
      %dma_start3A_177 = arith.constant 0 : i32
      %dma_start3A_178 = tpu.memref_slice %arg2[%squeeze3A_168, %dma_start3A_177] : memref<1000x20xf32, #tpu.memory_space<hbm>> -> memref<1x20xf32, #tpu.memory_space<hbm>>
      tpu.enqueue_dma source(%dma_start3A_178 : memref<1x20xf32, #tpu.memory_space<hbm>>) target(%dma_start3A_176 : memref<1x20xf32, #tpu.memory_space<vmem>>) target_semaphore(%arg9 : memref<!tpu.dma_semaphore, #tpu.memory_space<semaphore_mem>>)
      %slice3A_179 = vector.extract_strided_slice %bitcast3A {offsets = [14], sizes = [1], strides = [1]} : vector<16xi32> to vector<1xi32>
      %squeeze3A_180 = vector.extract %slice3A_179[0] : i32 from vector<1xi32>
      %dma_start3A_181 = arith.constant 14 : i32
      %dma_start3A_182 = arith.constant 0 : i32
      %dma_start3A_183 = tpu.memref_slice %arg7[%dma_start3A_181, %dma_start3A_182] : memref<22x20xf32, #tpu.memory_space<vmem>> -> memref<1x20xf32, #tpu.memory_space<vmem>>
      %dma_start3A_184 = arith.constant 0 : i32
      %dma_start3A_185 = tpu.memref_slice %arg2[%squeeze3A_180, %dma_start3A_184] : memref<1000x20xf32, #tpu.memory_space<hbm>> -> memref<1x20xf32, #tpu.memory_space<hbm>>
      %dma_start3A_186 = arith.constant 14 : i32
      %dma_start3A_187 = arith.constant 0 : i32
      %dma_start3A_188 = tpu.memref_slice %arg7[%dma_start3A_186, %dma_start3A_187] : memref<22x20xf32, #tpu.memory_space<vmem>> -> memref<1x20xf32, #tpu.memory_space<vmem>>
      %dma_start3A_189 = arith.constant 0 : i32
      %dma_start3A_190 = tpu.memref_slice %arg2[%squeeze3A_180, %dma_start3A_189] : memref<1000x20xf32, #tpu.memory_space<hbm>> -> memref<1x20xf32, #tpu.memory_space<hbm>>
      tpu.enqueue_dma source(%dma_start3A_190 : memref<1x20xf32, #tpu.memory_space<hbm>>) target(%dma_start3A_188 : memref<1x20xf32, #tpu.memory_space<vmem>>) target_semaphore(%arg9 : memref<!tpu.dma_semaphore, #tpu.memory_space<semaphore_mem>>)
      %slice3A_191 = vector.extract_strided_slice %bitcast3A {offsets = [15], sizes = [1], strides = [1]} : vector<16xi32> to vector<1xi32>
      %squeeze3A_192 = vector.extract %slice3A_191[0] : i32 from vector<1xi32>
      %dma_start3A_193 = arith.constant 15 : i32
      %dma_start3A_194 = arith.constant 0 : i32
      %dma_start3A_195 = tpu.memref_slice %arg7[%dma_start3A_193, %dma_start3A_194] : memref<22x20xf32, #tpu.memory_space<vmem>> -> memref<1x20xf32, #tpu.memory_space<vmem>>
      %dma_start3A_196 = arith.constant 0 : i32
      %dma_start3A_197 = tpu.memref_slice %arg2[%squeeze3A_192, %dma_start3A_196] : memref<1000x20xf32, #tpu.memory_space<hbm>> -> memref<1x20xf32, #tpu.memory_space<hbm>>
      %dma_start3A_198 = arith.constant 15 : i32
      %dma_start3A_199 = arith.constant 0 : i32
      %dma_start3A_200 = tpu.memref_slice %arg7[%dma_start3A_198, %dma_start3A_199] : memref<22x20xf32, #tpu.memory_space<vmem>> -> memref<1x20xf32, #tpu.memory_space<vmem>>
      %dma_start3A_201 = arith.constant 0 : i32
      %dma_start3A_202 = tpu.memref_slice %arg2[%squeeze3A_192, %dma_start3A_201] : memref<1000x20xf32, #tpu.memory_space<hbm>> -> memref<1x20xf32, #tpu.memory_space<hbm>>
      tpu.enqueue_dma source(%dma_start3A_202 : memref<1x20xf32, #tpu.memory_space<hbm>>) target(%dma_start3A_200 : memref<1x20xf32, #tpu.memory_space<vmem>>) target_semaphore(%arg9 : memref<!tpu.dma_semaphore, #tpu.memory_space<semaphore_mem>>)
      %slice3A_203 = vector.extract_strided_slice %bitcast3A_8 {offsets = [12], sizes = [1], strides = [1]} : vector<16xi32> to vector<1xi32>
      %squeeze3A_204 = vector.extract %slice3A_203[0] : i32 from vector<1xi32>
      %dma_start3A_205 = arith.constant 16 : i32
      %dma_start3A_206 = arith.constant 0 : i32
      %dma_start3A_207 = tpu.memref_slice %arg7[%dma_start3A_205, %dma_start3A_206] : memref<22x20xf32, #tpu.memory_space<vmem>> -> memref<1x20xf32, #tpu.memory_space<vmem>>
      %dma_start3A_208 = arith.constant 0 : i32
      %dma_start3A_209 = tpu.memref_slice %arg2[%squeeze3A_204, %dma_start3A_208] : memref<1000x20xf32, #tpu.memory_space<hbm>> -> memref<1x20xf32, #tpu.memory_space<hbm>>
      %dma_start3A_210 = arith.constant 16 : i32
      %dma_start3A_211 = arith.constant 0 : i32
      %dma_start3A_212 = tpu.memref_slice %arg7[%dma_start3A_210, %dma_start3A_211] : memref<22x20xf32, #tpu.memory_space<vmem>> -> memref<1x20xf32, #tpu.memory_space<vmem>>
      %dma_start3A_213 = arith.constant 0 : i32
      %dma_start3A_214 = tpu.memref_slice %arg2[%squeeze3A_204, %dma_start3A_213] : memref<1000x20xf32, #tpu.memory_space<hbm>> -> memref<1x20xf32, #tpu.memory_space<hbm>>
      tpu.enqueue_dma source(%dma_start3A_214 : memref<1x20xf32, #tpu.memory_space<hbm>>) target(%dma_start3A_212 : memref<1x20xf32, #tpu.memory_space<vmem>>) target_semaphore(%arg9 : memref<!tpu.dma_semaphore, #tpu.memory_space<semaphore_mem>>)
      %slice3A_215 = vector.extract_strided_slice %bitcast3A_8 {offsets = [13], sizes = [1], strides = [1]} : vector<16xi32> to vector<1xi32>
      %squeeze3A_216 = vector.extract %slice3A_215[0] : i32 from vector<1xi32>
      %dma_start3A_217 = arith.constant 17 : i32
      %dma_start3A_218 = arith.constant 0 : i32
      %dma_start3A_219 = tpu.memref_slice %arg7[%dma_start3A_217, %dma_start3A_218] : memref<22x20xf32, #tpu.memory_space<vmem>> -> memref<1x20xf32, #tpu.memory_space<vmem>>
      %dma_start3A_220 = arith.constant 0 : i32
      %dma_start3A_221 = tpu.memref_slice %arg2[%squeeze3A_216, %dma_start3A_220] : memref<1000x20xf32, #tpu.memory_space<hbm>> -> memref<1x20xf32, #tpu.memory_space<hbm>>
      %dma_start3A_222 = arith.constant 17 : i32
      %dma_start3A_223 = arith.constant 0 : i32
      %dma_start3A_224 = tpu.memref_slice %arg7[%dma_start3A_222, %dma_start3A_223] : memref<22x20xf32, #tpu.memory_space<vmem>> -> memref<1x20xf32, #tpu.memory_space<vmem>>
      %dma_start3A_225 = arith.constant 0 : i32
      %dma_start3A_226 = tpu.memref_slice %arg2[%squeeze3A_216, %dma_start3A_225] : memref<1000x20xf32, #tpu.memory_space<hbm>> -> memref<1x20xf32, #tpu.memory_space<hbm>>
      tpu.enqueue_dma source(%dma_start3A_226 : memref<1x20xf32, #tpu.memory_space<hbm>>) target(%dma_start3A_224 : memref<1x20xf32, #tpu.memory_space<vmem>>) target_semaphore(%arg9 : memref<!tpu.dma_semaphore, #tpu.memory_space<semaphore_mem>>)
      %slice3A_227 = vector.extract_strided_slice %bitcast3A_8 {offsets = [14], sizes = [1], strides = [1]} : vector<16xi32> to vector<1xi32>
      %squeeze3A_228 = vector.extract %slice3A_227[0] : i32 from vector<1xi32>
      %dma_start3A_229 = arith.constant 18 : i32
      %dma_start3A_230 = arith.constant 0 : i32
      %dma_start3A_231 = tpu.memref_slice %arg7[%dma_start3A_229, %dma_start3A_230] : memref<22x20xf32, #tpu.memory_space<vmem>> -> memref<1x20xf32, #tpu.memory_space<vmem>>
      %dma_start3A_232 = arith.constant 0 : i32
      %dma_start3A_233 = tpu.memref_slice %arg2[%squeeze3A_228, %dma_start3A_232] : memref<1000x20xf32, #tpu.memory_space<hbm>> -> memref<1x20xf32, #tpu.memory_space<hbm>>
      %dma_start3A_234 = arith.constant 18 : i32
      %dma_start3A_235 = arith.constant 0 : i32
      %dma_start3A_236 = tpu.memref_slice %arg7[%dma_start3A_234, %dma_start3A_235] : memref<22x20xf32, #tpu.memory_space<vmem>> -> memref<1x20xf32, #tpu.memory_space<vmem>>
      %dma_start3A_237 = arith.constant 0 : i32
      %dma_start3A_238 = tpu.memref_slice %arg2[%squeeze3A_228, %dma_start3A_237] : memref<1000x20xf32, #tpu.memory_space<hbm>> -> memref<1x20xf32, #tpu.memory_space<hbm>>
      tpu.enqueue_dma source(%dma_start3A_238 : memref<1x20xf32, #tpu.memory_space<hbm>>) target(%dma_start3A_236 : memref<1x20xf32, #tpu.memory_space<vmem>>) target_semaphore(%arg9 : memref<!tpu.dma_semaphore, #tpu.memory_space<semaphore_mem>>)
      %slice3A_239 = vector.extract_strided_slice %bitcast3A_8 {offsets = [15], sizes = [1], strides = [1]} : vector<16xi32> to vector<1xi32>
      %squeeze3A_240 = vector.extract %slice3A_239[0] : i32 from vector<1xi32>
      %dma_start3A_241 = arith.constant 19 : i32
      %dma_start3A_242 = arith.constant 0 : i32
      %dma_start3A_243 = tpu.memref_slice %arg7[%dma_start3A_241, %dma_start3A_242] : memref<22x20xf32, #tpu.memory_space<vmem>> -> memref<1x20xf32, #tpu.memory_space<vmem>>
      %dma_start3A_244 = arith.constant 0 : i32
      %dma_start3A_245 = tpu.memref_slice %arg2[%squeeze3A_240, %dma_start3A_244] : memref<1000x20xf32, #tpu.memory_space<hbm>> -> memref<1x20xf32, #tpu.memory_space<hbm>>
      %dma_start3A_246 = arith.constant 19 : i32
      %dma_start3A_247 = arith.constant 0 : i32
      %dma_start3A_248 = tpu.memref_slice %arg7[%dma_start3A_246, %dma_start3A_247] : memref<22x20xf32, #tpu.memory_space<vmem>> -> memref<1x20xf32, #tpu.memory_space<vmem>>
      %dma_start3A_249 = arith.constant 0 : i32
      %dma_start3A_250 = tpu.memref_slice %arg2[%squeeze3A_240, %dma_start3A_249] : memref<1000x20xf32, #tpu.memory_space<hbm>> -> memref<1x20xf32, #tpu.memory_space<hbm>>
      tpu.enqueue_dma source(%dma_start3A_250 : memref<1x20xf32, #tpu.memory_space<hbm>>) target(%dma_start3A_248 : memref<1x20xf32, #tpu.memory_space<vmem>>) target_semaphore(%arg9 : memref<!tpu.dma_semaphore, #tpu.memory_space<semaphore_mem>>)
      %slice3A_251 = vector.extract_strided_slice %bitcast3A_13 {offsets = [0], sizes = [1], strides = [1]} : vector<16xi32> to vector<1xi32>
      %squeeze3A_252 = vector.extract %slice3A_251[0] : i32 from vector<1xi32>
      %dma_start3A_253 = arith.constant 20 : i32
      %dma_start3A_254 = arith.constant 0 : i32
      %dma_start3A_255 = tpu.memref_slice %arg7[%dma_start3A_253, %dma_start3A_254] : memref<22x20xf32, #tpu.memory_space<vmem>> -> memref<1x20xf32, #tpu.memory_space<vmem>>
      %dma_start3A_256 = arith.constant 0 : i32
      %dma_start3A_257 = tpu.memref_slice %arg2[%squeeze3A_252, %dma_start3A_256] : memref<1000x20xf32, #tpu.memory_space<hbm>> -> memref<1x20xf32, #tpu.memory_space<hbm>>
      %dma_start3A_258 = arith.constant 20 : i32
      %dma_start3A_259 = arith.constant 0 : i32
      %dma_start3A_260 = tpu.memref_slice %arg7[%dma_start3A_258, %dma_start3A_259] : memref<22x20xf32, #tpu.memory_space<vmem>> -> memref<1x20xf32, #tpu.memory_space<vmem>>
      %dma_start3A_261 = arith.constant 0 : i32
      %dma_start3A_262 = tpu.memref_slice %arg2[%squeeze3A_252, %dma_start3A_261] : memref<1000x20xf32, #tpu.memory_space<hbm>> -> memref<1x20xf32, #tpu.memory_space<hbm>>
      tpu.enqueue_dma source(%dma_start3A_262 : memref<1x20xf32, #tpu.memory_space<hbm>>) target(%dma_start3A_260 : memref<1x20xf32, #tpu.memory_space<vmem>>) target_semaphore(%arg9 : memref<!tpu.dma_semaphore, #tpu.memory_space<semaphore_mem>>)
      %slice3A_263 = vector.extract_strided_slice %bitcast3A_13 {offsets = [1], sizes = [1], strides = [1]} : vector<16xi32> to vector<1xi32>
      %squeeze3A_264 = vector.extract %slice3A_263[0] : i32 from vector<1xi32>
      %dma_start3A_265 = arith.constant 21 : i32
      %dma_start3A_266 = arith.constant 0 : i32
      %dma_start3A_267 = tpu.memref_slice %arg7[%dma_start3A_265, %dma_start3A_266] : memref<22x20xf32, #tpu.memory_space<vmem>> -> memref<1x20xf32, #tpu.memory_space<vmem>>
      %dma_start3A_268 = arith.constant 0 : i32
      %dma_start3A_269 = tpu.memref_slice %arg2[%squeeze3A_264, %dma_start3A_268] : memref<1000x20xf32, #tpu.memory_space<hbm>> -> memref<1x20xf32, #tpu.memory_space<hbm>>
      %dma_start3A_270 = arith.constant 21 : i32
      %dma_start3A_271 = arith.constant 0 : i32
      %dma_start3A_272 = tpu.memref_slice %arg7[%dma_start3A_270, %dma_start3A_271] : memref<22x20xf32, #tpu.memory_space<vmem>> -> memref<1x20xf32, #tpu.memory_space<vmem>>
      %dma_start3A_273 = arith.constant 0 : i32
      %dma_start3A_274 = tpu.memref_slice %arg2[%squeeze3A_264, %dma_start3A_273] : memref<1000x20xf32, #tpu.memory_space<hbm>> -> memref<1x20xf32, #tpu.memory_space<hbm>>
      tpu.enqueue_dma source(%dma_start3A_274 : memref<1x20xf32, #tpu.memory_space<hbm>>) target(%dma_start3A_272 : memref<1x20xf32, #tpu.memory_space<vmem>>) target_semaphore(%arg9 : memref<!tpu.dma_semaphore, #tpu.memory_space<semaphore_mem>>)
      %min3A = arith.constant 9 : i32
      %min3A_275 = vector.broadcast %min3A : i32 to vector<16xi32>
      %min3A_276 = arith.minsi %iota3A, %min3A_275 : vector<16xi32>
      %add3A_277 = arith.constant 10 : i32
      %add3A_278 = vector.broadcast %add3A_277 : i32 to vector<16xi32>
      %add3A_279 = arith.addi %add3A_278, %min3A_276 : vector<16xi32>
      %broadcast_in_dim3A_280 = arith.constant 12 : i32
      %broadcast_in_dim3A_281 = vector.broadcast %broadcast_in_dim3A_280 : i32 to vector<16xi32>
      %broadcast_in_dim3A_282 = arith.constant 13 : i32
      %broadcast_in_dim3A_283 = vector.broadcast %broadcast_in_dim3A_282 : i32 to vector<16xi32>
      %gather3A_284 = tpu.vector_load_idx %arg6[%broadcast_in_dim3A_281, %iota3A] : memref<14x20xf32, #tpu.memory_space<vmem>>[vector<16xi32>, vector<16xi32>], vector<16xf32>,
      %add3A_285 = arith.constant 4 : i32
      %add3A_286 = vector.broadcast %add3A_285 : i32 to vector<16xi32>
      %add3A_287 = arith.addi %iota3A, %add3A_286 : vector<16xi32>
      %gather3A_288 = tpu.vector_load_idx %arg6[%broadcast_in_dim3A_281, %add3A_287] : memref<14x20xf32, #tpu.memory_space<vmem>>[vector<16xi32>, vector<16xi32>], vector<16xf32>,
      %gather3A_289 = tpu.vector_load_idx %arg6[%broadcast_in_dim3A_283, %min3A_276] : memref<14x20xf32, #tpu.memory_space<vmem>>[vector<16xi32>, vector<16xi32>], vector<16xf32>,
      %gather3A_290 = tpu.vector_load_idx %arg6[%broadcast_in_dim3A_283, %iota3A] : memref<14x20xf32, #tpu.memory_space<vmem>>[vector<16xi32>, vector<16xi32>], vector<16xf32>,
      %dma_wait3A = arith.constant 0 : i32
      %dma_wait3A_291 = arith.constant 0 : i32
      %dma_wait3A_292 = tpu.memref_slice %arg7[%dma_wait3A, %dma_wait3A_291] : memref<22x20xf32, #tpu.memory_space<vmem>> -> memref<1x20xf32, #tpu.memory_space<vmem>>
      %dma_wait3A_293 = arith.constant 0 : i32
      %dma_wait3A_294 = tpu.memref_slice %arg2[%squeeze3A, %dma_wait3A_293] : memref<1000x20xf32, #tpu.memory_space<hbm>> -> memref<1x20xf32, #tpu.memory_space<hbm>>
      %dma_wait3A_295 = arith.constant 0 : i32
      %dma_wait3A_296 = arith.constant 0 : i32
      %dma_wait3A_297 = tpu.memref_slice %arg7[%dma_wait3A_295, %dma_wait3A_296] : memref<22x20xf32, #tpu.memory_space<vmem>> -> memref<1x20xf32, #tpu.memory_space<vmem>>
      %dma_wait3A_298 = arith.constant 0 : i32
      %dma_wait3A_299 = tpu.memref_slice %arg2[%squeeze3A, %dma_wait3A_298] : memref<1000x20xf32, #tpu.memory_space<hbm>> -> memref<1x20xf32, #tpu.memory_space<hbm>>
      tpu.wait_dma2 semaphore(%arg9 : memref<!tpu.dma_semaphore, #tpu.memory_space<semaphore_mem>>) src(%dma_wait3A_299 : memref<1x20xf32, #tpu.memory_space<hbm>>) dst(%dma_wait3A_297 : memref<1x20xf32, #tpu.memory_space<vmem>>)
      %dma_wait3A_300 = arith.constant 1 : i32
      %dma_wait3A_301 = arith.constant 0 : i32
      %dma_wait3A_302 = tpu.memref_slice %arg7[%dma_wait3A_300, %dma_wait3A_301] : memref<22x20xf32, #tpu.memory_space<vmem>> -> memref<1x20xf32, #tpu.memory_space<vmem>>
      %dma_wait3A_303 = arith.constant 0 : i32
      %dma_wait3A_304 = tpu.memref_slice %arg2[%squeeze3A_24, %dma_wait3A_303] : memref<1000x20xf32, #tpu.memory_space<hbm>> -> memref<1x20xf32, #tpu.memory_space<hbm>>
      %dma_wait3A_305 = arith.constant 1 : i32
      %dma_wait3A_306 = arith.constant 0 : i32
      %dma_wait3A_307 = tpu.memref_slice %arg7[%dma_wait3A_305, %dma_wait3A_306] : memref<22x20xf32, #tpu.memory_space<vmem>> -> memref<1x20xf32, #tpu.memory_space<vmem>>
      %dma_wait3A_308 = arith.constant 0 : i32
      %dma_wait3A_309 = tpu.memref_slice %arg2[%squeeze3A_24, %dma_wait3A_308] : memref<1000x20xf32, #tpu.memory_space<hbm>> -> memref<1x20xf32, #tpu.memory_space<hbm>>
      tpu.wait_dma2 semaphore(%arg9 : memref<!tpu.dma_semaphore, #tpu.memory_space<semaphore_mem>>) src(%dma_wait3A_309 : memref<1x20xf32, #tpu.memory_space<hbm>>) dst(%dma_wait3A_307 : memref<1x20xf32, #tpu.memory_space<vmem>>)
      %dma_wait3A_310 = arith.constant 2 : i32
      %dma_wait3A_311 = arith.constant 0 : i32
      %dma_wait3A_312 = tpu.memref_slice %arg7[%dma_wait3A_310, %dma_wait3A_311] : memref<22x20xf32, #tpu.memory_space<vmem>> -> memref<1x20xf32, #tpu.memory_space<vmem>>
      %dma_wait3A_313 = arith.constant 0 : i32
      %dma_wait3A_314 = tpu.memref_slice %arg2[%squeeze3A_36, %dma_wait3A_313] : memref<1000x20xf32, #tpu.memory_space<hbm>> -> memref<1x20xf32, #tpu.memory_space<hbm>>
      %dma_wait3A_315 = arith.constant 2 : i32
      %dma_wait3A_316 = arith.constant 0 : i32
      %dma_wait3A_317 = tpu.memref_slice %arg7[%dma_wait3A_315, %dma_wait3A_316] : memref<22x20xf32, #tpu.memory_space<vmem>> -> memref<1x20xf32, #tpu.memory_space<vmem>>
      %dma_wait3A_318 = arith.constant 0 : i32
      %dma_wait3A_319 = tpu.memref_slice %arg2[%squeeze3A_36, %dma_wait3A_318] : memref<1000x20xf32, #tpu.memory_space<hbm>> -> memref<1x20xf32, #tpu.memory_space<hbm>>
      tpu.wait_dma2 semaphore(%arg9 : memref<!tpu.dma_semaphore, #tpu.memory_space<semaphore_mem>>) src(%dma_wait3A_319 : memref<1x20xf32, #tpu.memory_space<hbm>>) dst(%dma_wait3A_317 : memref<1x20xf32, #tpu.memory_space<vmem>>)
      %dma_wait3A_320 = arith.constant 3 : i32
      %dma_wait3A_321 = arith.constant 0 : i32
      %dma_wait3A_322 = tpu.memref_slice %arg7[%dma_wait3A_320, %dma_wait3A_321] : memref<22x20xf32, #tpu.memory_space<vmem>> -> memref<1x20xf32, #tpu.memory_space<vmem>>
      %dma_wait3A_323 = arith.constant 0 : i32
      %dma_wait3A_324 = tpu.memref_slice %arg2[%squeeze3A_48, %dma_wait3A_323] : memref<1000x20xf32, #tpu.memory_space<hbm>> -> memref<1x20xf32, #tpu.memory_space<hbm>>
      %dma_wait3A_325 = arith.constant 3 : i32
      %dma_wait3A_326 = arith.constant 0 : i32
      %dma_wait3A_327 = tpu.memref_slice %arg7[%dma_wait3A_325, %dma_wait3A_326] : memref<22x20xf32, #tpu.memory_space<vmem>> -> memref<1x20xf32, #tpu.memory_space<vmem>>
      %dma_wait3A_328 = arith.constant 0 : i32
      %dma_wait3A_329 = tpu.memref_slice %arg2[%squeeze3A_48, %dma_wait3A_328] : memref<1000x20xf32, #tpu.memory_space<hbm>> -> memref<1x20xf32, #tpu.memory_space<hbm>>
      tpu.wait_dma2 semaphore(%arg9 : memref<!tpu.dma_semaphore, #tpu.memory_space<semaphore_mem>>) src(%dma_wait3A_329 : memref<1x20xf32, #tpu.memory_space<hbm>>) dst(%dma_wait3A_327 : memref<1x20xf32, #tpu.memory_space<vmem>>)
      %dma_wait3A_330 = arith.constant 4 : i32
      %dma_wait3A_331 = arith.constant 0 : i32
      %dma_wait3A_332 = tpu.memref_slice %arg7[%dma_wait3A_330, %dma_wait3A_331] : memref<22x20xf32, #tpu.memory_space<vmem>> -> memref<1x20xf32, #tpu.memory_space<vmem>>
      %dma_wait3A_333 = arith.constant 0 : i32
      %dma_wait3A_334 = tpu.memref_slice %arg2[%squeeze3A_60, %dma_wait3A_333] : memref<1000x20xf32, #tpu.memory_space<hbm>> -> memref<1x20xf32, #tpu.memory_space<hbm>>
      %dma_wait3A_335 = arith.constant 4 : i32
      %dma_wait3A_336 = arith.constant 0 : i32
      %dma_wait3A_337 = tpu.memref_slice %arg7[%dma_wait3A_335, %dma_wait3A_336] : memref<22x20xf32, #tpu.memory_space<vmem>> -> memref<1x20xf32, #tpu.memory_space<vmem>>
      %dma_wait3A_338 = arith.constant 0 : i32
      %dma_wait3A_339 = tpu.memref_slice %arg2[%squeeze3A_60, %dma_wait3A_338] : memref<1000x20xf32, #tpu.memory_space<hbm>> -> memref<1x20xf32, #tpu.memory_space<hbm>>
      tpu.wait_dma2 semaphore(%arg9 : memref<!tpu.dma_semaphore, #tpu.memory_space<semaphore_mem>>) src(%dma_wait3A_339 : memref<1x20xf32, #tpu.memory_space<hbm>>) dst(%dma_wait3A_337 : memref<1x20xf32, #tpu.memory_space<vmem>>)
      %dma_wait3A_340 = arith.constant 5 : i32
      %dma_wait3A_341 = arith.constant 0 : i32
      %dma_wait3A_342 = tpu.memref_slice %arg7[%dma_wait3A_340, %dma_wait3A_341] : memref<22x20xf32, #tpu.memory_space<vmem>> -> memref<1x20xf32, #tpu.memory_space<vmem>>
      %dma_wait3A_343 = arith.constant 0 : i32
      %dma_wait3A_344 = tpu.memref_slice %arg2[%squeeze3A_72, %dma_wait3A_343] : memref<1000x20xf32, #tpu.memory_space<hbm>> -> memref<1x20xf32, #tpu.memory_space<hbm>>
      %dma_wait3A_345 = arith.constant 5 : i32
      %dma_wait3A_346 = arith.constant 0 : i32
      %dma_wait3A_347 = tpu.memref_slice %arg7[%dma_wait3A_345, %dma_wait3A_346] : memref<22x20xf32, #tpu.memory_space<vmem>> -> memref<1x20xf32, #tpu.memory_space<vmem>>
      %dma_wait3A_348 = arith.constant 0 : i32
      %dma_wait3A_349 = tpu.memref_slice %arg2[%squeeze3A_72, %dma_wait3A_348] : memref<1000x20xf32, #tpu.memory_space<hbm>> -> memref<1x20xf32, #tpu.memory_space<hbm>>
      tpu.wait_dma2 semaphore(%arg9 : memref<!tpu.dma_semaphore, #tpu.memory_space<semaphore_mem>>) src(%dma_wait3A_349 : memref<1x20xf32, #tpu.memory_space<hbm>>) dst(%dma_wait3A_347 : memref<1x20xf32, #tpu.memory_space<vmem>>)
      %dma_wait3A_350 = arith.constant 6 : i32
      %dma_wait3A_351 = arith.constant 0 : i32
      %dma_wait3A_352 = tpu.memref_slice %arg7[%dma_wait3A_350, %dma_wait3A_351] : memref<22x20xf32, #tpu.memory_space<vmem>> -> memref<1x20xf32, #tpu.memory_space<vmem>>
      %dma_wait3A_353 = arith.constant 0 : i32
      %dma_wait3A_354 = tpu.memref_slice %arg2[%squeeze3A_84, %dma_wait3A_353] : memref<1000x20xf32, #tpu.memory_space<hbm>> -> memref<1x20xf32, #tpu.memory_space<hbm>>
      %dma_wait3A_355 = arith.constant 6 : i32
      %dma_wait3A_356 = arith.constant 0 : i32
      %dma_wait3A_357 = tpu.memref_slice %arg7[%dma_wait3A_355, %dma_wait3A_356] : memref<22x20xf32, #tpu.memory_space<vmem>> -> memref<1x20xf32, #tpu.memory_space<vmem>>
      %dma_wait3A_358 = arith.constant 0 : i32
      %dma_wait3A_359 = tpu.memref_slice %arg2[%squeeze3A_84, %dma_wait3A_358] : memref<1000x20xf32, #tpu.memory_space<hbm>> -> memref<1x20xf32, #tpu.memory_space<hbm>>
      tpu.wait_dma2 semaphore(%arg9 : memref<!tpu.dma_semaphore, #tpu.memory_space<semaphore_mem>>) src(%dma_wait3A_359 : memref<1x20xf32, #tpu.memory_space<hbm>>) dst(%dma_wait3A_357 : memref<1x20xf32, #tpu.memory_space<vmem>>)
      %dma_wait3A_360 = arith.constant 7 : i32
      %dma_wait3A_361 = arith.constant 0 : i32
      %dma_wait3A_362 = tpu.memref_slice %arg7[%dma_wait3A_360, %dma_wait3A_361] : memref<22x20xf32, #tpu.memory_space<vmem>> -> memref<1x20xf32, #tpu.memory_space<vmem>>
      %dma_wait3A_363 = arith.constant 0 : i32
      %dma_wait3A_364 = tpu.memref_slice %arg2[%squeeze3A_96, %dma_wait3A_363] : memref<1000x20xf32, #tpu.memory_space<hbm>> -> memref<1x20xf32, #tpu.memory_space<hbm>>
      %dma_wait3A_365 = arith.constant 7 : i32
      %dma_wait3A_366 = arith.constant 0 : i32
      %dma_wait3A_367 = tpu.memref_slice %arg7[%dma_wait3A_365, %dma_wait3A_366] : memref<22x20xf32, #tpu.memory_space<vmem>> -> memref<1x20xf32, #tpu.memory_space<vmem>>
      %dma_wait3A_368 = arith.constant 0 : i32
      %dma_wait3A_369 = tpu.memref_slice %arg2[%squeeze3A_96, %dma_wait3A_368] : memref<1000x20xf32, #tpu.memory_space<hbm>> -> memref<1x20xf32, #tpu.memory_space<hbm>>
      tpu.wait_dma2 semaphore(%arg9 : memref<!tpu.dma_semaphore, #tpu.memory_space<semaphore_mem>>) src(%dma_wait3A_369 : memref<1x20xf32, #tpu.memory_space<hbm>>) dst(%dma_wait3A_367 : memref<1x20xf32, #tpu.memory_space<vmem>>)
      %dma_wait3A_370 = arith.constant 8 : i32
      %dma_wait3A_371 = arith.constant 0 : i32
      %dma_wait3A_372 = tpu.memref_slice %arg7[%dma_wait3A_370, %dma_wait3A_371] : memref<22x20xf32, #tpu.memory_space<vmem>> -> memref<1x20xf32, #tpu.memory_space<vmem>>
      %dma_wait3A_373 = arith.constant 0 : i32
      %dma_wait3A_374 = tpu.memref_slice %arg2[%squeeze3A_108, %dma_wait3A_373] : memref<1000x20xf32, #tpu.memory_space<hbm>> -> memref<1x20xf32, #tpu.memory_space<hbm>>
      %dma_wait3A_375 = arith.constant 8 : i32
      %dma_wait3A_376 = arith.constant 0 : i32
      %dma_wait3A_377 = tpu.memref_slice %arg7[%dma_wait3A_375, %dma_wait3A_376] : memref<22x20xf32, #tpu.memory_space<vmem>> -> memref<1x20xf32, #tpu.memory_space<vmem>>
      %dma_wait3A_378 = arith.constant 0 : i32
      %dma_wait3A_379 = tpu.memref_slice %arg2[%squeeze3A_108, %dma_wait3A_378] : memref<1000x20xf32, #tpu.memory_space<hbm>> -> memref<1x20xf32, #tpu.memory_space<hbm>>
      tpu.wait_dma2 semaphore(%arg9 : memref<!tpu.dma_semaphore, #tpu.memory_space<semaphore_mem>>) src(%dma_wait3A_379 : memref<1x20xf32, #tpu.memory_space<hbm>>) dst(%dma_wait3A_377 : memref<1x20xf32, #tpu.memory_space<vmem>>)
      %dma_wait3A_380 = arith.constant 9 : i32
      %dma_wait3A_381 = arith.constant 0 : i32
      %dma_wait3A_382 = tpu.memref_slice %arg7[%dma_wait3A_380, %dma_wait3A_381] : memref<22x20xf32, #tpu.memory_space<vmem>> -> memref<1x20xf32, #tpu.memory_space<vmem>>
      %dma_wait3A_383 = arith.constant 0 : i32
      %dma_wait3A_384 = tpu.memref_slice %arg2[%squeeze3A_120, %dma_wait3A_383] : memref<1000x20xf32, #tpu.memory_space<hbm>> -> memref<1x20xf32, #tpu.memory_space<hbm>>
      %dma_wait3A_385 = arith.constant 9 : i32
      %dma_wait3A_386 = arith.constant 0 : i32
      %dma_wait3A_387 = tpu.memref_slice %arg7[%dma_wait3A_385, %dma_wait3A_386] : memref<22x20xf32, #tpu.memory_space<vmem>> -> memref<1x20xf32, #tpu.memory_space<vmem>>
      %dma_wait3A_388 = arith.constant 0 : i32
      %dma_wait3A_389 = tpu.memref_slice %arg2[%squeeze3A_120, %dma_wait3A_388] : memref<1000x20xf32, #tpu.memory_space<hbm>> -> memref<1x20xf32, #tpu.memory_space<hbm>>
      tpu.wait_dma2 semaphore(%arg9 : memref<!tpu.dma_semaphore, #tpu.memory_space<semaphore_mem>>) src(%dma_wait3A_389 : memref<1x20xf32, #tpu.memory_space<hbm>>) dst(%dma_wait3A_387 : memref<1x20xf32, #tpu.memory_space<vmem>>)
      %dma_wait3A_390 = arith.constant 10 : i32
      %dma_wait3A_391 = arith.constant 0 : i32
      %dma_wait3A_392 = tpu.memref_slice %arg7[%dma_wait3A_390, %dma_wait3A_391] : memref<22x20xf32, #tpu.memory_space<vmem>> -> memref<1x20xf32, #tpu.memory_space<vmem>>
      %dma_wait3A_393 = arith.constant 0 : i32
      %dma_wait3A_394 = tpu.memref_slice %arg2[%squeeze3A_132, %dma_wait3A_393] : memref<1000x20xf32, #tpu.memory_space<hbm>> -> memref<1x20xf32, #tpu.memory_space<hbm>>
      %dma_wait3A_395 = arith.constant 10 : i32
      %dma_wait3A_396 = arith.constant 0 : i32
      %dma_wait3A_397 = tpu.memref_slice %arg7[%dma_wait3A_395, %dma_wait3A_396] : memref<22x20xf32, #tpu.memory_space<vmem>> -> memref<1x20xf32, #tpu.memory_space<vmem>>
      %dma_wait3A_398 = arith.constant 0 : i32
      %dma_wait3A_399 = tpu.memref_slice %arg2[%squeeze3A_132, %dma_wait3A_398] : memref<1000x20xf32, #tpu.memory_space<hbm>> -> memref<1x20xf32, #tpu.memory_space<hbm>>
      tpu.wait_dma2 semaphore(%arg9 : memref<!tpu.dma_semaphore, #tpu.memory_space<semaphore_mem>>) src(%dma_wait3A_399 : memref<1x20xf32, #tpu.memory_space<hbm>>) dst(%dma_wait3A_397 : memref<1x20xf32, #tpu.memory_space<vmem>>)
      %dma_wait3A_400 = arith.constant 11 : i32
      %dma_wait3A_401 = arith.constant 0 : i32
      %dma_wait3A_402 = tpu.memref_slice %arg7[%dma_wait3A_400, %dma_wait3A_401] : memref<22x20xf32, #tpu.memory_space<vmem>> -> memref<1x20xf32, #tpu.memory_space<vmem>>
      %dma_wait3A_403 = arith.constant 0 : i32
      %dma_wait3A_404 = tpu.memref_slice %arg2[%squeeze3A_144, %dma_wait3A_403] : memref<1000x20xf32, #tpu.memory_space<hbm>> -> memref<1x20xf32, #tpu.memory_space<hbm>>
      %dma_wait3A_405 = arith.constant 11 : i32
      %dma_wait3A_406 = arith.constant 0 : i32
      %dma_wait3A_407 = tpu.memref_slice %arg7[%dma_wait3A_405, %dma_wait3A_406] : memref<22x20xf32, #tpu.memory_space<vmem>> -> memref<1x20xf32, #tpu.memory_space<vmem>>
      %dma_wait3A_408 = arith.constant 0 : i32
      %dma_wait3A_409 = tpu.memref_slice %arg2[%squeeze3A_144, %dma_wait3A_408] : memref<1000x20xf32, #tpu.memory_space<hbm>> -> memref<1x20xf32, #tpu.memory_space<hbm>>
      tpu.wait_dma2 semaphore(%arg9 : memref<!tpu.dma_semaphore, #tpu.memory_space<semaphore_mem>>) src(%dma_wait3A_409 : memref<1x20xf32, #tpu.memory_space<hbm>>) dst(%dma_wait3A_407 : memref<1x20xf32, #tpu.memory_space<vmem>>)
      %dma_wait3A_410 = arith.constant 12 : i32
      %dma_wait3A_411 = arith.constant 0 : i32
      %dma_wait3A_412 = tpu.memref_slice %arg7[%dma_wait3A_410, %dma_wait3A_411] : memref<22x20xf32, #tpu.memory_space<vmem>> -> memref<1x20xf32, #tpu.memory_space<vmem>>
      %dma_wait3A_413 = arith.constant 0 : i32
      %dma_wait3A_414 = tpu.memref_slice %arg2[%squeeze3A_156, %dma_wait3A_413] : memref<1000x20xf32, #tpu.memory_space<hbm>> -> memref<1x20xf32, #tpu.memory_space<hbm>>
      %dma_wait3A_415 = arith.constant 12 : i32
      %dma_wait3A_416 = arith.constant 0 : i32
      %dma_wait3A_417 = tpu.memref_slice %arg7[%dma_wait3A_415, %dma_wait3A_416] : memref<22x20xf32, #tpu.memory_space<vmem>> -> memref<1x20xf32, #tpu.memory_space<vmem>>
      %dma_wait3A_418 = arith.constant 0 : i32
      %dma_wait3A_419 = tpu.memref_slice %arg2[%squeeze3A_156, %dma_wait3A_418] : memref<1000x20xf32, #tpu.memory_space<hbm>> -> memref<1x20xf32, #tpu.memory_space<hbm>>
      tpu.wait_dma2 semaphore(%arg9 : memref<!tpu.dma_semaphore, #tpu.memory_space<semaphore_mem>>) src(%dma_wait3A_419 : memref<1x20xf32, #tpu.memory_space<hbm>>) dst(%dma_wait3A_417 : memref<1x20xf32, #tpu.memory_space<vmem>>)
      %dma_wait3A_420 = arith.constant 13 : i32
      %dma_wait3A_421 = arith.constant 0 : i32
      %dma_wait3A_422 = tpu.memref_slice %arg7[%dma_wait3A_420, %dma_wait3A_421] : memref<22x20xf32, #tpu.memory_space<vmem>> -> memref<1x20xf32, #tpu.memory_space<vmem>>
      %dma_wait3A_423 = arith.constant 0 : i32
      %dma_wait3A_424 = tpu.memref_slice %arg2[%squeeze3A_168, %dma_wait3A_423] : memref<1000x20xf32, #tpu.memory_space<hbm>> -> memref<1x20xf32, #tpu.memory_space<hbm>>
      %dma_wait3A_425 = arith.constant 13 : i32
      %dma_wait3A_426 = arith.constant 0 : i32
      %dma_wait3A_427 = tpu.memref_slice %arg7[%dma_wait3A_425, %dma_wait3A_426] : memref<22x20xf32, #tpu.memory_space<vmem>> -> memref<1x20xf32, #tpu.memory_space<vmem>>
      %dma_wait3A_428 = arith.constant 0 : i32
      %dma_wait3A_429 = tpu.memref_slice %arg2[%squeeze3A_168, %dma_wait3A_428] : memref<1000x20xf32, #tpu.memory_space<hbm>> -> memref<1x20xf32, #tpu.memory_space<hbm>>
      tpu.wait_dma2 semaphore(%arg9 : memref<!tpu.dma_semaphore, #tpu.memory_space<semaphore_mem>>) src(%dma_wait3A_429 : memref<1x20xf32, #tpu.memory_space<hbm>>) dst(%dma_wait3A_427 : memref<1x20xf32, #tpu.memory_space<vmem>>)
      %dma_wait3A_430 = arith.constant 14 : i32
      %dma_wait3A_431 = arith.constant 0 : i32
      %dma_wait3A_432 = tpu.memref_slice %arg7[%dma_wait3A_430, %dma_wait3A_431] : memref<22x20xf32, #tpu.memory_space<vmem>> -> memref<1x20xf32, #tpu.memory_space<vmem>>
      %dma_wait3A_433 = arith.constant 0 : i32
      %dma_wait3A_434 = tpu.memref_slice %arg2[%squeeze3A_180, %dma_wait3A_433] : memref<1000x20xf32, #tpu.memory_space<hbm>> -> memref<1x20xf32, #tpu.memory_space<hbm>>
      %dma_wait3A_435 = arith.constant 14 : i32
      %dma_wait3A_436 = arith.constant 0 : i32
      %dma_wait3A_437 = tpu.memref_slice %arg7[%dma_wait3A_435, %dma_wait3A_436] : memref<22x20xf32, #tpu.memory_space<vmem>> -> memref<1x20xf32, #tpu.memory_space<vmem>>
      %dma_wait3A_438 = arith.constant 0 : i32
      %dma_wait3A_439 = tpu.memref_slice %arg2[%squeeze3A_180, %dma_wait3A_438] : memref<1000x20xf32, #tpu.memory_space<hbm>> -> memref<1x20xf32, #tpu.memory_space<hbm>>
      tpu.wait_dma2 semaphore(%arg9 : memref<!tpu.dma_semaphore, #tpu.memory_space<semaphore_mem>>) src(%dma_wait3A_439 : memref<1x20xf32, #tpu.memory_space<hbm>>) dst(%dma_wait3A_437 : memref<1x20xf32, #tpu.memory_space<vmem>>)
      %dma_wait3A_440 = arith.constant 15 : i32
      %dma_wait3A_441 = arith.constant 0 : i32
      %dma_wait3A_442 = tpu.memref_slice %arg7[%dma_wait3A_440, %dma_wait3A_441] : memref<22x20xf32, #tpu.memory_space<vmem>> -> memref<1x20xf32, #tpu.memory_space<vmem>>
      %dma_wait3A_443 = arith.constant 0 : i32
      %dma_wait3A_444 = tpu.memref_slice %arg2[%squeeze3A_192, %dma_wait3A_443] : memref<1000x20xf32, #tpu.memory_space<hbm>> -> memref<1x20xf32, #tpu.memory_space<hbm>>
      %dma_wait3A_445 = arith.constant 15 : i32
      %dma_wait3A_446 = arith.constant 0 : i32
      %dma_wait3A_447 = tpu.memref_slice %arg7[%dma_wait3A_445, %dma_wait3A_446] : memref<22x20xf32, #tpu.memory_space<vmem>> -> memref<1x20xf32, #tpu.memory_space<vmem>>
      %dma_wait3A_448 = arith.constant 0 : i32
      %dma_wait3A_449 = tpu.memref_slice %arg2[%squeeze3A_192, %dma_wait3A_448] : memref<1000x20xf32, #tpu.memory_space<hbm>> -> memref<1x20xf32, #tpu.memory_space<hbm>>
      tpu.wait_dma2 semaphore(%arg9 : memref<!tpu.dma_semaphore, #tpu.memory_space<semaphore_mem>>) src(%dma_wait3A_449 : memref<1x20xf32, #tpu.memory_space<hbm>>) dst(%dma_wait3A_447 : memref<1x20xf32, #tpu.memory_space<vmem>>)
      %dma_wait3A_450 = arith.constant 16 : i32
      %dma_wait3A_451 = arith.constant 0 : i32
      %dma_wait3A_452 = tpu.memref_slice %arg7[%dma_wait3A_450, %dma_wait3A_451] : memref<22x20xf32, #tpu.memory_space<vmem>> -> memref<1x20xf32, #tpu.memory_space<vmem>>
      %dma_wait3A_453 = arith.constant 0 : i32
      %dma_wait3A_454 = tpu.memref_slice %arg2[%squeeze3A_204, %dma_wait3A_453] : memref<1000x20xf32, #tpu.memory_space<hbm>> -> memref<1x20xf32, #tpu.memory_space<hbm>>
      %dma_wait3A_455 = arith.constant 16 : i32
      %dma_wait3A_456 = arith.constant 0 : i32
      %dma_wait3A_457 = tpu.memref_slice %arg7[%dma_wait3A_455, %dma_wait3A_456] : memref<22x20xf32, #tpu.memory_space<vmem>> -> memref<1x20xf32, #tpu.memory_space<vmem>>
      %dma_wait3A_458 = arith.constant 0 : i32
      %dma_wait3A_459 = tpu.memref_slice %arg2[%squeeze3A_204, %dma_wait3A_458] : memref<1000x20xf32, #tpu.memory_space<hbm>> -> memref<1x20xf32, #tpu.memory_space<hbm>>
      tpu.wait_dma2 semaphore(%arg9 : memref<!tpu.dma_semaphore, #tpu.memory_space<semaphore_mem>>) src(%dma_wait3A_459 : memref<1x20xf32, #tpu.memory_space<hbm>>) dst(%dma_wait3A_457 : memref<1x20xf32, #tpu.memory_space<vmem>>)
      %dma_wait3A_460 = arith.constant 17 : i32
      %dma_wait3A_461 = arith.constant 0 : i32
      %dma_wait3A_462 = tpu.memref_slice %arg7[%dma_wait3A_460, %dma_wait3A_461] : memref<22x20xf32, #tpu.memory_space<vmem>> -> memref<1x20xf32, #tpu.memory_space<vmem>>
      %dma_wait3A_463 = arith.constant 0 : i32
      %dma_wait3A_464 = tpu.memref_slice %arg2[%squeeze3A_216, %dma_wait3A_463] : memref<1000x20xf32, #tpu.memory_space<hbm>> -> memref<1x20xf32, #tpu.memory_space<hbm>>
      %dma_wait3A_465 = arith.constant 17 : i32
      %dma_wait3A_466 = arith.constant 0 : i32
      %dma_wait3A_467 = tpu.memref_slice %arg7[%dma_wait3A_465, %dma_wait3A_466] : memref<22x20xf32, #tpu.memory_space<vmem>> -> memref<1x20xf32, #tpu.memory_space<vmem>>
      %dma_wait3A_468 = arith.constant 0 : i32
      %dma_wait3A_469 = tpu.memref_slice %arg2[%squeeze3A_216, %dma_wait3A_468] : memref<1000x20xf32, #tpu.memory_space<hbm>> -> memref<1x20xf32, #tpu.memory_space<hbm>>
      tpu.wait_dma2 semaphore(%arg9 : memref<!tpu.dma_semaphore, #tpu.memory_space<semaphore_mem>>) src(%dma_wait3A_469 : memref<1x20xf32, #tpu.memory_space<hbm>>) dst(%dma_wait3A_467 : memref<1x20xf32, #tpu.memory_space<vmem>>)
      %dma_wait3A_470 = arith.constant 18 : i32
      %dma_wait3A_471 = arith.constant 0 : i32
      %dma_wait3A_472 = tpu.memref_slice %arg7[%dma_wait3A_470, %dma_wait3A_471] : memref<22x20xf32, #tpu.memory_space<vmem>> -> memref<1x20xf32, #tpu.memory_space<vmem>>
      %dma_wait3A_473 = arith.constant 0 : i32
      %dma_wait3A_474 = tpu.memref_slice %arg2[%squeeze3A_228, %dma_wait3A_473] : memref<1000x20xf32, #tpu.memory_space<hbm>> -> memref<1x20xf32, #tpu.memory_space<hbm>>
      %dma_wait3A_475 = arith.constant 18 : i32
      %dma_wait3A_476 = arith.constant 0 : i32
      %dma_wait3A_477 = tpu.memref_slice %arg7[%dma_wait3A_475, %dma_wait3A_476] : memref<22x20xf32, #tpu.memory_space<vmem>> -> memref<1x20xf32, #tpu.memory_space<vmem>>
      %dma_wait3A_478 = arith.constant 0 : i32
      %dma_wait3A_479 = tpu.memref_slice %arg2[%squeeze3A_228, %dma_wait3A_478] : memref<1000x20xf32, #tpu.memory_space<hbm>> -> memref<1x20xf32, #tpu.memory_space<hbm>>
      tpu.wait_dma2 semaphore(%arg9 : memref<!tpu.dma_semaphore, #tpu.memory_space<semaphore_mem>>) src(%dma_wait3A_479 : memref<1x20xf32, #tpu.memory_space<hbm>>) dst(%dma_wait3A_477 : memref<1x20xf32, #tpu.memory_space<vmem>>)
      %dma_wait3A_480 = arith.constant 19 : i32
      %dma_wait3A_481 = arith.constant 0 : i32
      %dma_wait3A_482 = tpu.memref_slice %arg7[%dma_wait3A_480, %dma_wait3A_481] : memref<22x20xf32, #tpu.memory_space<vmem>> -> memref<1x20xf32, #tpu.memory_space<vmem>>
      %dma_wait3A_483 = arith.constant 0 : i32
      %dma_wait3A_484 = tpu.memref_slice %arg2[%squeeze3A_240, %dma_wait3A_483] : memref<1000x20xf32, #tpu.memory_space<hbm>> -> memref<1x20xf32, #tpu.memory_space<hbm>>
      %dma_wait3A_485 = arith.constant 19 : i32
      %dma_wait3A_486 = arith.constant 0 : i32
      %dma_wait3A_487 = tpu.memref_slice %arg7[%dma_wait3A_485, %dma_wait3A_486] : memref<22x20xf32, #tpu.memory_space<vmem>> -> memref<1x20xf32, #tpu.memory_space<vmem>>
      %dma_wait3A_488 = arith.constant 0 : i32
      %dma_wait3A_489 = tpu.memref_slice %arg2[%squeeze3A_240, %dma_wait3A_488] : memref<1000x20xf32, #tpu.memory_space<hbm>> -> memref<1x20xf32, #tpu.memory_space<hbm>>
      tpu.wait_dma2 semaphore(%arg9 : memref<!tpu.dma_semaphore, #tpu.memory_space<semaphore_mem>>) src(%dma_wait3A_489 : memref<1x20xf32, #tpu.memory_space<hbm>>) dst(%dma_wait3A_487 : memref<1x20xf32, #tpu.memory_space<vmem>>)
      %dma_wait3A_490 = arith.constant 20 : i32
      %dma_wait3A_491 = arith.constant 0 : i32
      %dma_wait3A_492 = tpu.memref_slice %arg7[%dma_wait3A_490, %dma_wait3A_491] : memref<22x20xf32, #tpu.memory_space<vmem>> -> memref<1x20xf32, #tpu.memory_space<vmem>>
      %dma_wait3A_493 = arith.constant 0 : i32
      %dma_wait3A_494 = tpu.memref_slice %arg2[%squeeze3A_252, %dma_wait3A_493] : memref<1000x20xf32, #tpu.memory_space<hbm>> -> memref<1x20xf32, #tpu.memory_space<hbm>>
      %dma_wait3A_495 = arith.constant 20 : i32
      %dma_wait3A_496 = arith.constant 0 : i32
      %dma_wait3A_497 = tpu.memref_slice %arg7[%dma_wait3A_495, %dma_wait3A_496] : memref<22x20xf32, #tpu.memory_space<vmem>> -> memref<1x20xf32, #tpu.memory_space<vmem>>
      %dma_wait3A_498 = arith.constant 0 : i32
      %dma_wait3A_499 = tpu.memref_slice %arg2[%squeeze3A_252, %dma_wait3A_498] : memref<1000x20xf32, #tpu.memory_space<hbm>> -> memref<1x20xf32, #tpu.memory_space<hbm>>
      tpu.wait_dma2 semaphore(%arg9 : memref<!tpu.dma_semaphore, #tpu.memory_space<semaphore_mem>>) src(%dma_wait3A_499 : memref<1x20xf32, #tpu.memory_space<hbm>>) dst(%dma_wait3A_497 : memref<1x20xf32, #tpu.memory_space<vmem>>)
      %dma_wait3A_500 = arith.constant 21 : i32
      %dma_wait3A_501 = arith.constant 0 : i32
      %dma_wait3A_502 = tpu.memref_slice %arg7[%dma_wait3A_500, %dma_wait3A_501] : memref<22x20xf32, #tpu.memory_space<vmem>> -> memref<1x20xf32, #tpu.memory_space<vmem>>
      %dma_wait3A_503 = arith.constant 0 : i32
      %dma_wait3A_504 = tpu.memref_slice %arg2[%squeeze3A_264, %dma_wait3A_503] : memref<1000x20xf32, #tpu.memory_space<hbm>> -> memref<1x20xf32, #tpu.memory_space<hbm>>
      %dma_wait3A_505 = arith.constant 21 : i32
      %dma_wait3A_506 = arith.constant 0 : i32
      %dma_wait3A_507 = tpu.memref_slice %arg7[%dma_wait3A_505, %dma_wait3A_506] : memref<22x20xf32, #tpu.memory_space<vmem>> -> memref<1x20xf32, #tpu.memory_space<vmem>>
      %dma_wait3A_508 = arith.constant 0 : i32
      %dma_wait3A_509 = tpu.memref_slice %arg2[%squeeze3A_264, %dma_wait3A_508] : memref<1000x20xf32, #tpu.memory_space<hbm>> -> memref<1x20xf32, #tpu.memory_space<hbm>>
      tpu.wait_dma2 semaphore(%arg9 : memref<!tpu.dma_semaphore, #tpu.memory_space<semaphore_mem>>) src(%dma_wait3A_509 : memref<1x20xf32, #tpu.memory_space<hbm>>) dst(%dma_wait3A_507 : memref<1x20xf32, #tpu.memory_space<vmem>>)
      %broadcast_in_dim3A_510 = arith.constant 20 : i32
      %broadcast_in_dim3A_511 = vector.broadcast %broadcast_in_dim3A_510 : i32 to vector<16xi32>
      %gather3A_512 = tpu.vector_load_idx %arg7[%broadcast_in_dim3A_511, %iota3A] : memref<22x20xf32, #tpu.memory_space<vmem>>[vector<16xi32>, vector<16xi32>], vector<16xf32>,
      %broadcast_in_dim3A_513 = arith.constant 20 : i32
      %broadcast_in_dim3A_514 = vector.broadcast %broadcast_in_dim3A_513 : i32 to vector<16xi32>
      %add3A_515 = arith.constant 4 : i32
      %add3A_516 = vector.broadcast %add3A_515 : i32 to vector<16xi32>
      %add3A_517 = arith.addi %iota3A, %add3A_516 : vector<16xi32>
      %gather3A_518 = tpu.vector_load_idx %arg7[%broadcast_in_dim3A_514, %add3A_517] : memref<22x20xf32, #tpu.memory_space<vmem>>[vector<16xi32>, vector<16xi32>], vector<16xf32>,
      %broadcast_in_dim3A_519 = arith.constant 21 : i32
      %broadcast_in_dim3A_520 = vector.broadcast %broadcast_in_dim3A_519 : i32 to vector<16xi32>
      %gather3A_521 = tpu.vector_load_idx %arg7[%broadcast_in_dim3A_520, %iota3A] : memref<22x20xf32, #tpu.memory_space<vmem>>[vector<16xi32>, vector<16xi32>], vector<16xf32>,
      %broadcast_in_dim3A_522 = arith.constant 21 : i32
      %broadcast_in_dim3A_523 = vector.broadcast %broadcast_in_dim3A_522 : i32 to vector<16xi32>
      %add3A_524 = arith.constant 4 : i32
      %add3A_525 = vector.broadcast %add3A_524 : i32 to vector<16xi32>
      %add3A_526 = arith.addi %iota3A, %add3A_525 : vector<16xi32>
      %gather3A_527 = tpu.vector_load_idx %arg7[%broadcast_in_dim3A_523, %add3A_526] : memref<22x20xf32, #tpu.memory_space<vmem>>[vector<16xi32>, vector<16xi32>], vector<16xf32>,
      %broadcast_in_dim3A_528 = arith.constant 0.000000e+00 : f32
      %broadcast_in_dim3A_529 = vector.broadcast %broadcast_in_dim3A_528 : f32 to vector<16xf32>
      %broadcast_in_dim3A_530 = arith.constant 0.000000e+00 : f32
      %broadcast_in_dim3A_531 = vector.broadcast %broadcast_in_dim3A_530 : f32 to vector<16xf32>
      %broadcast_in_dim3A_532 = arith.constant 0.000000e+00 : f32
      %broadcast_in_dim3A_533 = vector.broadcast %broadcast_in_dim3A_532 : f32 to vector<16xf32>
      %broadcast_in_dim3A_534 = arith.constant 0.000000e+00 : f32
      %broadcast_in_dim3A_535 = vector.broadcast %broadcast_in_dim3A_534 : f32 to vector<16xf32>
      %broadcast_in_dim3A_536 = arith.constant 0 : i32
      %broadcast_in_dim3A_537 = vector.broadcast %broadcast_in_dim3A_536 : i32 to vector<16xi32>
      %add3A_538 = arith.constant 2 : i32
      %add3A_539 = vector.broadcast %add3A_538 : i32 to vector<16xi32>
      %add3A_540 = arith.addi %add3A_539, %min3A_276 : vector<16xi32>
      %gather3A_541 = tpu.vector_load_idx %arg6[%add3A_540, %broadcast_in_dim3A_537] : memref<14x20xf32, #tpu.memory_space<vmem>>[vector<16xi32>, vector<16xi32>], vector<16xf32>,
      %gather3A_542 = tpu.vector_load_idx %arg7[%min3A_276, %broadcast_in_dim3A_537] : memref<22x20xf32, #tpu.memory_space<vmem>>[vector<16xi32>, vector<16xi32>], vector<16xf32>,
      %gather3A_543 = tpu.vector_load_idx %arg7[%add3A_279, %broadcast_in_dim3A_537] : memref<22x20xf32, #tpu.memory_space<vmem>>[vector<16xi32>, vector<16xi32>], vector<16xf32>,
      %slice3A_544 = vector.extract_strided_slice %gather3A_284 {offsets = [0], sizes = [1], strides = [1]} : vector<16xf32> to vector<1xf32>
      %squeeze3A_545 = vector.extract %slice3A_544[0] : f32 from vector<1xf32>
      %slice3A_546 = vector.extract_strided_slice %gather3A_512 {offsets = [0], sizes = [1], strides = [1]} : vector<16xf32> to vector<1xf32>
      %squeeze3A_547 = vector.extract %slice3A_546[0] : f32 from vector<1xf32>
      %slice3A_548 = vector.extract_strided_slice %gather3A_521 {offsets = [0], sizes = [1], strides = [1]} : vector<16xf32> to vector<1xf32>
      %squeeze3A_549 = vector.extract %slice3A_548[0] : f32 from vector<1xf32>
      %mul3A = vector.broadcast %squeeze3A_547 : f32 to vector<16xf32>
      %mul3A_550 = arith.mulf %mul3A, %gather3A_541 : vector<16xf32>
      %add3A_551 = arith.addf %broadcast_in_dim3A_529, %mul3A_550 : vector<16xf32>
      %mul3A_552 = vector.broadcast %squeeze3A_549 : f32 to vector<16xf32>
      %mul3A_553 = arith.mulf %mul3A_552, %gather3A_541 : vector<16xf32>
      %add3A_554 = arith.addf %broadcast_in_dim3A_531, %mul3A_553 : vector<16xf32>
      %mul3A_555 = vector.broadcast %squeeze3A_545 : f32 to vector<16xf32>
      %mul3A_556 = arith.mulf %gather3A_542, %mul3A_555 : vector<16xf32>
      %add3A_557 = arith.addf %broadcast_in_dim3A_533, %mul3A_556 : vector<16xf32>
      %mul3A_558 = vector.broadcast %squeeze3A_545 : f32 to vector<16xf32>
      %mul3A_559 = arith.mulf %gather3A_543, %mul3A_558 : vector<16xf32>
      %add3A_560 = arith.addf %broadcast_in_dim3A_535, %mul3A_559 : vector<16xf32>
      %broadcast_in_dim3A_561 = arith.constant 1 : i32
      %broadcast_in_dim3A_562 = vector.broadcast %broadcast_in_dim3A_561 : i32 to vector<16xi32>
      %add3A_563 = arith.constant 2 : i32
      %add3A_564 = vector.broadcast %add3A_563 : i32 to vector<16xi32>
      %add3A_565 = arith.addi %add3A_564, %min3A_276 : vector<16xi32>
      %gather3A_566 = tpu.vector_load_idx %arg6[%add3A_565, %broadcast_in_dim3A_562] : memref<14x20xf32, #tpu.memory_space<vmem>>[vector<16xi32>, vector<16xi32>], vector<16xf32>,
      %gather3A_567 = tpu.vector_load_idx %arg7[%min3A_276, %broadcast_in_dim3A_562] : memref<22x20xf32, #tpu.memory_space<vmem>>[vector<16xi32>, vector<16xi32>], vector<16xf32>,
      %gather3A_568 = tpu.vector_load_idx %arg7[%add3A_279, %broadcast_in_dim3A_562] : memref<22x20xf32, #tpu.memory_space<vmem>>[vector<16xi32>, vector<16xi32>], vector<16xf32>,
      %slice3A_569 = vector.extract_strided_slice %gather3A_284 {offsets = [1], sizes = [1], strides = [1]} : vector<16xf32> to vector<1xf32>
      %squeeze3A_570 = vector.extract %slice3A_569[0] : f32 from vector<1xf32>
      %slice3A_571 = vector.extract_strided_slice %gather3A_512 {offsets = [1], sizes = [1], strides = [1]} : vector<16xf32> to vector<1xf32>
      %squeeze3A_572 = vector.extract %slice3A_571[0] : f32 from vector<1xf32>
      %slice3A_573 = vector.extract_strided_slice %gather3A_521 {offsets = [1], sizes = [1], strides = [1]} : vector<16xf32> to vector<1xf32>
      %squeeze3A_574 = vector.extract %slice3A_573[0] : f32 from vector<1xf32>
      %mul3A_575 = vector.broadcast %squeeze3A_572 : f32 to vector<16xf32>
      %mul3A_576 = arith.mulf %mul3A_575, %gather3A_566 : vector<16xf32>
      %add3A_577 = arith.addf %add3A_551, %mul3A_576 : vector<16xf32>
      %mul3A_578 = vector.broadcast %squeeze3A_574 : f32 to vector<16xf32>
      %mul3A_579 = arith.mulf %mul3A_578, %gather3A_566 : vector<16xf32>
      %add3A_580 = arith.addf %add3A_554, %mul3A_579 : vector<16xf32>
      %mul3A_581 = vector.broadcast %squeeze3A_570 : f32 to vector<16xf32>
      %mul3A_582 = arith.mulf %gather3A_567, %mul3A_581 : vector<16xf32>
      %add3A_583 = arith.addf %add3A_557, %mul3A_582 : vector<16xf32>
      %mul3A_584 = vector.broadcast %squeeze3A_570 : f32 to vector<16xf32>
      %mul3A_585 = arith.mulf %gather3A_568, %mul3A_584 : vector<16xf32>
      %add3A_586 = arith.addf %add3A_560, %mul3A_585 : vector<16xf32>
      %broadcast_in_dim3A_587 = arith.constant 2 : i32
      %broadcast_in_dim3A_588 = vector.broadcast %broadcast_in_dim3A_587 : i32 to vector<16xi32>
      %add3A_589 = arith.constant 2 : i32
      %add3A_590 = vector.broadcast %add3A_589 : i32 to vector<16xi32>
      %add3A_591 = arith.addi %add3A_590, %min3A_276 : vector<16xi32>
      %gather3A_592 = tpu.vector_load_idx %arg6[%add3A_591, %broadcast_in_dim3A_588] : memref<14x20xf32, #tpu.memory_space<vmem>>[vector<16xi32>, vector<16xi32>], vector<16xf32>,
      %gather3A_593 = tpu.vector_load_idx %arg7[%min3A_276, %broadcast_in_dim3A_588] : memref<22x20xf32, #tpu.memory_space<vmem>>[vector<16xi32>, vector<16xi32>], vector<16xf32>,
      %gather3A_594 = tpu.vector_load_idx %arg7[%add3A_279, %broadcast_in_dim3A_588] : memref<22x20xf32, #tpu.memory_space<vmem>>[vector<16xi32>, vector<16xi32>], vector<16xf32>,
      %slice3A_595 = vector.extract_strided_slice %gather3A_284 {offsets = [2], sizes = [1], strides = [1]} : vector<16xf32> to vector<1xf32>
      %squeeze3A_596 = vector.extract %slice3A_595[0] : f32 from vector<1xf32>
      %slice3A_597 = vector.extract_strided_slice %gather3A_512 {offsets = [2], sizes = [1], strides = [1]} : vector<16xf32> to vector<1xf32>
      %squeeze3A_598 = vector.extract %slice3A_597[0] : f32 from vector<1xf32>
      %slice3A_599 = vector.extract_strided_slice %gather3A_521 {offsets = [2], sizes = [1], strides = [1]} : vector<16xf32> to vector<1xf32>
      %squeeze3A_600 = vector.extract %slice3A_599[0] : f32 from vector<1xf32>
      %mul3A_601 = vector.broadcast %squeeze3A_598 : f32 to vector<16xf32>
      %mul3A_602 = arith.mulf %mul3A_601, %gather3A_592 : vector<16xf32>
      %add3A_603 = arith.addf %add3A_577, %mul3A_602 : vector<16xf32>
      %mul3A_604 = vector.broadcast %squeeze3A_600 : f32 to vector<16xf32>
      %mul3A_605 = arith.mulf %mul3A_604, %gather3A_592 : vector<16xf32>
      %add3A_606 = arith.addf %add3A_580, %mul3A_605 : vector<16xf32>
      %mul3A_607 = vector.broadcast %squeeze3A_596 : f32 to vector<16xf32>
      %mul3A_608 = arith.mulf %gather3A_593, %mul3A_607 : vector<16xf32>
      %add3A_609 = arith.addf %add3A_583, %mul3A_608 : vector<16xf32>
      %mul3A_610 = vector.broadcast %squeeze3A_596 : f32 to vector<16xf32>
      %mul3A_611 = arith.mulf %gather3A_594, %mul3A_610 : vector<16xf32>
      %add3A_612 = arith.addf %add3A_586, %mul3A_611 : vector<16xf32>
      %broadcast_in_dim3A_613 = arith.constant 3 : i32
      %broadcast_in_dim3A_614 = vector.broadcast %broadcast_in_dim3A_613 : i32 to vector<16xi32>
      %add3A_615 = arith.constant 2 : i32
      %add3A_616 = vector.broadcast %add3A_615 : i32 to vector<16xi32>
      %add3A_617 = arith.addi %add3A_616, %min3A_276 : vector<16xi32>
      %gather3A_618 = tpu.vector_load_idx %arg6[%add3A_617, %broadcast_in_dim3A_614] : memref<14x20xf32, #tpu.memory_space<vmem>>[vector<16xi32>, vector<16xi32>], vector<16xf32>,
      %gather3A_619 = tpu.vector_load_idx %arg7[%min3A_276, %broadcast_in_dim3A_614] : memref<22x20xf32, #tpu.memory_space<vmem>>[vector<16xi32>, vector<16xi32>], vector<16xf32>,
      %gather3A_620 = tpu.vector_load_idx %arg7[%add3A_279, %broadcast_in_dim3A_614] : memref<22x20xf32, #tpu.memory_space<vmem>>[vector<16xi32>, vector<16xi32>], vector<16xf32>,
      %slice3A_621 = vector.extract_strided_slice %gather3A_284 {offsets = [3], sizes = [1], strides = [1]} : vector<16xf32> to vector<1xf32>
      %squeeze3A_622 = vector.extract %slice3A_621[0] : f32 from vector<1xf32>
      %slice3A_623 = vector.extract_strided_slice %gather3A_512 {offsets = [3], sizes = [1], strides = [1]} : vector<16xf32> to vector<1xf32>
      %squeeze3A_624 = vector.extract %slice3A_623[0] : f32 from vector<1xf32>
      %slice3A_625 = vector.extract_strided_slice %gather3A_521 {offsets = [3], sizes = [1], strides = [1]} : vector<16xf32> to vector<1xf32>
      %squeeze3A_626 = vector.extract %slice3A_625[0] : f32 from vector<1xf32>
      %mul3A_627 = vector.broadcast %squeeze3A_624 : f32 to vector<16xf32>
      %mul3A_628 = arith.mulf %mul3A_627, %gather3A_618 : vector<16xf32>
      %add3A_629 = arith.addf %add3A_603, %mul3A_628 : vector<16xf32>
      %mul3A_630 = vector.broadcast %squeeze3A_626 : f32 to vector<16xf32>
      %mul3A_631 = arith.mulf %mul3A_630, %gather3A_618 : vector<16xf32>
      %add3A_632 = arith.addf %add3A_606, %mul3A_631 : vector<16xf32>
      %mul3A_633 = vector.broadcast %squeeze3A_622 : f32 to vector<16xf32>
      %mul3A_634 = arith.mulf %gather3A_619, %mul3A_633 : vector<16xf32>
      %add3A_635 = arith.addf %add3A_609, %mul3A_634 : vector<16xf32>
      %mul3A_636 = vector.broadcast %squeeze3A_622 : f32 to vector<16xf32>
      %mul3A_637 = arith.mulf %gather3A_620, %mul3A_636 : vector<16xf32>
      %add3A_638 = arith.addf %add3A_612, %mul3A_637 : vector<16xf32>
      %broadcast_in_dim3A_639 = arith.constant 4 : i32
      %broadcast_in_dim3A_640 = vector.broadcast %broadcast_in_dim3A_639 : i32 to vector<16xi32>
      %add3A_641 = arith.constant 2 : i32
      %add3A_642 = vector.broadcast %add3A_641 : i32 to vector<16xi32>
      %add3A_643 = arith.addi %add3A_642, %min3A_276 : vector<16xi32>
      %gather3A_644 = tpu.vector_load_idx %arg6[%add3A_643, %broadcast_in_dim3A_640] : memref<14x20xf32, #tpu.memory_space<vmem>>[vector<16xi32>, vector<16xi32>], vector<16xf32>,
      %gather3A_645 = tpu.vector_load_idx %arg7[%min3A_276, %broadcast_in_dim3A_640] : memref<22x20xf32, #tpu.memory_space<vmem>>[vector<16xi32>, vector<16xi32>], vector<16xf32>,
      %gather3A_646 = tpu.vector_load_idx %arg7[%add3A_279, %broadcast_in_dim3A_640] : memref<22x20xf32, #tpu.memory_space<vmem>>[vector<16xi32>, vector<16xi32>], vector<16xf32>,
      %slice3A_647 = vector.extract_strided_slice %gather3A_284 {offsets = [4], sizes = [1], strides = [1]} : vector<16xf32> to vector<1xf32>
      %squeeze3A_648 = vector.extract %slice3A_647[0] : f32 from vector<1xf32>
      %slice3A_649 = vector.extract_strided_slice %gather3A_512 {offsets = [4], sizes = [1], strides = [1]} : vector<16xf32> to vector<1xf32>
      %squeeze3A_650 = vector.extract %slice3A_649[0] : f32 from vector<1xf32>
      %slice3A_651 = vector.extract_strided_slice %gather3A_521 {offsets = [4], sizes = [1], strides = [1]} : vector<16xf32> to vector<1xf32>
      %squeeze3A_652 = vector.extract %slice3A_651[0] : f32 from vector<1xf32>
      %mul3A_653 = vector.broadcast %squeeze3A_650 : f32 to vector<16xf32>
      %mul3A_654 = arith.mulf %mul3A_653, %gather3A_644 : vector<16xf32>
      %add3A_655 = arith.addf %add3A_629, %mul3A_654 : vector<16xf32>
      %mul3A_656 = vector.broadcast %squeeze3A_652 : f32 to vector<16xf32>
      %mul3A_657 = arith.mulf %mul3A_656, %gather3A_644 : vector<16xf32>
      %add3A_658 = arith.addf %add3A_632, %mul3A_657 : vector<16xf32>
      %mul3A_659 = vector.broadcast %squeeze3A_648 : f32 to vector<16xf32>
      %mul3A_660 = arith.mulf %gather3A_645, %mul3A_659 : vector<16xf32>
      %add3A_661 = arith.addf %add3A_635, %mul3A_660 : vector<16xf32>
      %mul3A_662 = vector.broadcast %squeeze3A_648 : f32 to vector<16xf32>
      %mul3A_663 = arith.mulf %gather3A_646, %mul3A_662 : vector<16xf32>
      %add3A_664 = arith.addf %add3A_638, %mul3A_663 : vector<16xf32>
      %broadcast_in_dim3A_665 = arith.constant 5 : i32
      %broadcast_in_dim3A_666 = vector.broadcast %broadcast_in_dim3A_665 : i32 to vector<16xi32>
      %add3A_667 = arith.constant 2 : i32
      %add3A_668 = vector.broadcast %add3A_667 : i32 to vector<16xi32>
      %add3A_669 = arith.addi %add3A_668, %min3A_276 : vector<16xi32>
      %gather3A_670 = tpu.vector_load_idx %arg6[%add3A_669, %broadcast_in_dim3A_666] : memref<14x20xf32, #tpu.memory_space<vmem>>[vector<16xi32>, vector<16xi32>], vector<16xf32>,
      %gather3A_671 = tpu.vector_load_idx %arg7[%min3A_276, %broadcast_in_dim3A_666] : memref<22x20xf32, #tpu.memory_space<vmem>>[vector<16xi32>, vector<16xi32>], vector<16xf32>,
      %gather3A_672 = tpu.vector_load_idx %arg7[%add3A_279, %broadcast_in_dim3A_666] : memref<22x20xf32, #tpu.memory_space<vmem>>[vector<16xi32>, vector<16xi32>], vector<16xf32>,
      %slice3A_673 = vector.extract_strided_slice %gather3A_284 {offsets = [5], sizes = [1], strides = [1]} : vector<16xf32> to vector<1xf32>
      %squeeze3A_674 = vector.extract %slice3A_673[0] : f32 from vector<1xf32>
      %slice3A_675 = vector.extract_strided_slice %gather3A_512 {offsets = [5], sizes = [1], strides = [1]} : vector<16xf32> to vector<1xf32>
      %squeeze3A_676 = vector.extract %slice3A_675[0] : f32 from vector<1xf32>
      %slice3A_677 = vector.extract_strided_slice %gather3A_521 {offsets = [5], sizes = [1], strides = [1]} : vector<16xf32> to vector<1xf32>
      %squeeze3A_678 = vector.extract %slice3A_677[0] : f32 from vector<1xf32>
      %mul3A_679 = vector.broadcast %squeeze3A_676 : f32 to vector<16xf32>
      %mul3A_680 = arith.mulf %mul3A_679, %gather3A_670 : vector<16xf32>
      %add3A_681 = arith.addf %add3A_655, %mul3A_680 : vector<16xf32>
      %mul3A_682 = vector.broadcast %squeeze3A_678 : f32 to vector<16xf32>
      %mul3A_683 = arith.mulf %mul3A_682, %gather3A_670 : vector<16xf32>
      %add3A_684 = arith.addf %add3A_658, %mul3A_683 : vector<16xf32>
      %mul3A_685 = vector.broadcast %squeeze3A_674 : f32 to vector<16xf32>
      %mul3A_686 = arith.mulf %gather3A_671, %mul3A_685 : vector<16xf32>
      %add3A_687 = arith.addf %add3A_661, %mul3A_686 : vector<16xf32>
      %mul3A_688 = vector.broadcast %squeeze3A_674 : f32 to vector<16xf32>
      %mul3A_689 = arith.mulf %gather3A_672, %mul3A_688 : vector<16xf32>
      %add3A_690 = arith.addf %add3A_664, %mul3A_689 : vector<16xf32>
      %broadcast_in_dim3A_691 = arith.constant 6 : i32
      %broadcast_in_dim3A_692 = vector.broadcast %broadcast_in_dim3A_691 : i32 to vector<16xi32>
      %add3A_693 = arith.constant 2 : i32
      %add3A_694 = vector.broadcast %add3A_693 : i32 to vector<16xi32>
      %add3A_695 = arith.addi %add3A_694, %min3A_276 : vector<16xi32>
      %gather3A_696 = tpu.vector_load_idx %arg6[%add3A_695, %broadcast_in_dim3A_692] : memref<14x20xf32, #tpu.memory_space<vmem>>[vector<16xi32>, vector<16xi32>], vector<16xf32>,
      %gather3A_697 = tpu.vector_load_idx %arg7[%min3A_276, %broadcast_in_dim3A_692] : memref<22x20xf32, #tpu.memory_space<vmem>>[vector<16xi32>, vector<16xi32>], vector<16xf32>,
      %gather3A_698 = tpu.vector_load_idx %arg7[%add3A_279, %broadcast_in_dim3A_692] : memref<22x20xf32, #tpu.memory_space<vmem>>[vector<16xi32>, vector<16xi32>], vector<16xf32>,
      %slice3A_699 = vector.extract_strided_slice %gather3A_284 {offsets = [6], sizes = [1], strides = [1]} : vector<16xf32> to vector<1xf32>
      %squeeze3A_700 = vector.extract %slice3A_699[0] : f32 from vector<1xf32>
      %slice3A_701 = vector.extract_strided_slice %gather3A_512 {offsets = [6], sizes = [1], strides = [1]} : vector<16xf32> to vector<1xf32>
      %squeeze3A_702 = vector.extract %slice3A_701[0] : f32 from vector<1xf32>
      %slice3A_703 = vector.extract_strided_slice %gather3A_521 {offsets = [6], sizes = [1], strides = [1]} : vector<16xf32> to vector<1xf32>
      %squeeze3A_704 = vector.extract %slice3A_703[0] : f32 from vector<1xf32>
      %mul3A_705 = vector.broadcast %squeeze3A_702 : f32 to vector<16xf32>
      %mul3A_706 = arith.mulf %mul3A_705, %gather3A_696 : vector<16xf32>
      %add3A_707 = arith.addf %add3A_681, %mul3A_706 : vector<16xf32>
      %mul3A_708 = vector.broadcast %squeeze3A_704 : f32 to vector<16xf32>
      %mul3A_709 = arith.mulf %mul3A_708, %gather3A_696 : vector<16xf32>
      %add3A_710 = arith.addf %add3A_684, %mul3A_709 : vector<16xf32>
      %mul3A_711 = vector.broadcast %squeeze3A_700 : f32 to vector<16xf32>
      %mul3A_712 = arith.mulf %gather3A_697, %mul3A_711 : vector<16xf32>
      %add3A_713 = arith.addf %add3A_687, %mul3A_712 : vector<16xf32>
      %mul3A_714 = vector.broadcast %squeeze3A_700 : f32 to vector<16xf32>
      %mul3A_715 = arith.mulf %gather3A_698, %mul3A_714 : vector<16xf32>
      %add3A_716 = arith.addf %add3A_690, %mul3A_715 : vector<16xf32>
      %broadcast_in_dim3A_717 = arith.constant 7 : i32
      %broadcast_in_dim3A_718 = vector.broadcast %broadcast_in_dim3A_717 : i32 to vector<16xi32>
      %add3A_719 = arith.constant 2 : i32
      %add3A_720 = vector.broadcast %add3A_719 : i32 to vector<16xi32>
      %add3A_721 = arith.addi %add3A_720, %min3A_276 : vector<16xi32>
      %gather3A_722 = tpu.vector_load_idx %arg6[%add3A_721, %broadcast_in_dim3A_718] : memref<14x20xf32, #tpu.memory_space<vmem>>[vector<16xi32>, vector<16xi32>], vector<16xf32>,
      %gather3A_723 = tpu.vector_load_idx %arg7[%min3A_276, %broadcast_in_dim3A_718] : memref<22x20xf32, #tpu.memory_space<vmem>>[vector<16xi32>, vector<16xi32>], vector<16xf32>,
      %gather3A_724 = tpu.vector_load_idx %arg7[%add3A_279, %broadcast_in_dim3A_718] : memref<22x20xf32, #tpu.memory_space<vmem>>[vector<16xi32>, vector<16xi32>], vector<16xf32>,
      %slice3A_725 = vector.extract_strided_slice %gather3A_284 {offsets = [7], sizes = [1], strides = [1]} : vector<16xf32> to vector<1xf32>
      %squeeze3A_726 = vector.extract %slice3A_725[0] : f32 from vector<1xf32>
      %slice3A_727 = vector.extract_strided_slice %gather3A_512 {offsets = [7], sizes = [1], strides = [1]} : vector<16xf32> to vector<1xf32>
      %squeeze3A_728 = vector.extract %slice3A_727[0] : f32 from vector<1xf32>
      %slice3A_729 = vector.extract_strided_slice %gather3A_521 {offsets = [7], sizes = [1], strides = [1]} : vector<16xf32> to vector<1xf32>
      %squeeze3A_730 = vector.extract %slice3A_729[0] : f32 from vector<1xf32>
      %mul3A_731 = vector.broadcast %squeeze3A_728 : f32 to vector<16xf32>
      %mul3A_732 = arith.mulf %mul3A_731, %gather3A_722 : vector<16xf32>
      %add3A_733 = arith.addf %add3A_707, %mul3A_732 : vector<16xf32>
      %mul3A_734 = vector.broadcast %squeeze3A_730 : f32 to vector<16xf32>
      %mul3A_735 = arith.mulf %mul3A_734, %gather3A_722 : vector<16xf32>
      %add3A_736 = arith.addf %add3A_710, %mul3A_735 : vector<16xf32>
      %mul3A_737 = vector.broadcast %squeeze3A_726 : f32 to vector<16xf32>
      %mul3A_738 = arith.mulf %gather3A_723, %mul3A_737 : vector<16xf32>
      %add3A_739 = arith.addf %add3A_713, %mul3A_738 : vector<16xf32>
      %mul3A_740 = vector.broadcast %squeeze3A_726 : f32 to vector<16xf32>
      %mul3A_741 = arith.mulf %gather3A_724, %mul3A_740 : vector<16xf32>
      %add3A_742 = arith.addf %add3A_716, %mul3A_741 : vector<16xf32>
      %broadcast_in_dim3A_743 = arith.constant 8 : i32
      %broadcast_in_dim3A_744 = vector.broadcast %broadcast_in_dim3A_743 : i32 to vector<16xi32>
      %add3A_745 = arith.constant 2 : i32
      %add3A_746 = vector.broadcast %add3A_745 : i32 to vector<16xi32>
      %add3A_747 = arith.addi %add3A_746, %min3A_276 : vector<16xi32>
      %gather3A_748 = tpu.vector_load_idx %arg6[%add3A_747, %broadcast_in_dim3A_744] : memref<14x20xf32, #tpu.memory_space<vmem>>[vector<16xi32>, vector<16xi32>], vector<16xf32>,
      %gather3A_749 = tpu.vector_load_idx %arg7[%min3A_276, %broadcast_in_dim3A_744] : memref<22x20xf32, #tpu.memory_space<vmem>>[vector<16xi32>, vector<16xi32>], vector<16xf32>,
      %gather3A_750 = tpu.vector_load_idx %arg7[%add3A_279, %broadcast_in_dim3A_744] : memref<22x20xf32, #tpu.memory_space<vmem>>[vector<16xi32>, vector<16xi32>], vector<16xf32>,
      %slice3A_751 = vector.extract_strided_slice %gather3A_284 {offsets = [8], sizes = [1], strides = [1]} : vector<16xf32> to vector<1xf32>
      %squeeze3A_752 = vector.extract %slice3A_751[0] : f32 from vector<1xf32>
      %slice3A_753 = vector.extract_strided_slice %gather3A_512 {offsets = [8], sizes = [1], strides = [1]} : vector<16xf32> to vector<1xf32>
      %squeeze3A_754 = vector.extract %slice3A_753[0] : f32 from vector<1xf32>
      %slice3A_755 = vector.extract_strided_slice %gather3A_521 {offsets = [8], sizes = [1], strides = [1]} : vector<16xf32> to vector<1xf32>
      %squeeze3A_756 = vector.extract %slice3A_755[0] : f32 from vector<1xf32>
      %mul3A_757 = vector.broadcast %squeeze3A_754 : f32 to vector<16xf32>
      %mul3A_758 = arith.mulf %mul3A_757, %gather3A_748 : vector<16xf32>
      %add3A_759 = arith.addf %add3A_733, %mul3A_758 : vector<16xf32>
      %mul3A_760 = vector.broadcast %squeeze3A_756 : f32 to vector<16xf32>
      %mul3A_761 = arith.mulf %mul3A_760, %gather3A_748 : vector<16xf32>
      %add3A_762 = arith.addf %add3A_736, %mul3A_761 : vector<16xf32>
      %mul3A_763 = vector.broadcast %squeeze3A_752 : f32 to vector<16xf32>
      %mul3A_764 = arith.mulf %gather3A_749, %mul3A_763 : vector<16xf32>
      %add3A_765 = arith.addf %add3A_739, %mul3A_764 : vector<16xf32>
      %mul3A_766 = vector.broadcast %squeeze3A_752 : f32 to vector<16xf32>
      %mul3A_767 = arith.mulf %gather3A_750, %mul3A_766 : vector<16xf32>
      %add3A_768 = arith.addf %add3A_742, %mul3A_767 : vector<16xf32>
      %broadcast_in_dim3A_769 = arith.constant 9 : i32
      %broadcast_in_dim3A_770 = vector.broadcast %broadcast_in_dim3A_769 : i32 to vector<16xi32>
      %add3A_771 = arith.constant 2 : i32
      %add3A_772 = vector.broadcast %add3A_771 : i32 to vector<16xi32>
      %add3A_773 = arith.addi %add3A_772, %min3A_276 : vector<16xi32>
      %gather3A_774 = tpu.vector_load_idx %arg6[%add3A_773, %broadcast_in_dim3A_770] : memref<14x20xf32, #tpu.memory_space<vmem>>[vector<16xi32>, vector<16xi32>], vector<16xf32>,
      %gather3A_775 = tpu.vector_load_idx %arg7[%min3A_276, %broadcast_in_dim3A_770] : memref<22x20xf32, #tpu.memory_space<vmem>>[vector<16xi32>, vector<16xi32>], vector<16xf32>,
      %gather3A_776 = tpu.vector_load_idx %arg7[%add3A_279, %broadcast_in_dim3A_770] : memref<22x20xf32, #tpu.memory_space<vmem>>[vector<16xi32>, vector<16xi32>], vector<16xf32>,
      %slice3A_777 = vector.extract_strided_slice %gather3A_284 {offsets = [9], sizes = [1], strides = [1]} : vector<16xf32> to vector<1xf32>
      %squeeze3A_778 = vector.extract %slice3A_777[0] : f32 from vector<1xf32>
      %slice3A_779 = vector.extract_strided_slice %gather3A_512 {offsets = [9], sizes = [1], strides = [1]} : vector<16xf32> to vector<1xf32>
      %squeeze3A_780 = vector.extract %slice3A_779[0] : f32 from vector<1xf32>
      %slice3A_781 = vector.extract_strided_slice %gather3A_521 {offsets = [9], sizes = [1], strides = [1]} : vector<16xf32> to vector<1xf32>
      %squeeze3A_782 = vector.extract %slice3A_781[0] : f32 from vector<1xf32>
      %mul3A_783 = vector.broadcast %squeeze3A_780 : f32 to vector<16xf32>
      %mul3A_784 = arith.mulf %mul3A_783, %gather3A_774 : vector<16xf32>
      %add3A_785 = arith.addf %add3A_759, %mul3A_784 : vector<16xf32>
      %mul3A_786 = vector.broadcast %squeeze3A_782 : f32 to vector<16xf32>
      %mul3A_787 = arith.mulf %mul3A_786, %gather3A_774 : vector<16xf32>
      %add3A_788 = arith.addf %add3A_762, %mul3A_787 : vector<16xf32>
      %mul3A_789 = vector.broadcast %squeeze3A_778 : f32 to vector<16xf32>
      %mul3A_790 = arith.mulf %gather3A_775, %mul3A_789 : vector<16xf32>
      %add3A_791 = arith.addf %add3A_765, %mul3A_790 : vector<16xf32>
      %mul3A_792 = vector.broadcast %squeeze3A_778 : f32 to vector<16xf32>
      %mul3A_793 = arith.mulf %gather3A_776, %mul3A_792 : vector<16xf32>
      %add3A_794 = arith.addf %add3A_768, %mul3A_793 : vector<16xf32>
      %broadcast_in_dim3A_795 = arith.constant 10 : i32
      %broadcast_in_dim3A_796 = vector.broadcast %broadcast_in_dim3A_795 : i32 to vector<16xi32>
      %add3A_797 = arith.constant 2 : i32
      %add3A_798 = vector.broadcast %add3A_797 : i32 to vector<16xi32>
      %add3A_799 = arith.addi %add3A_798, %min3A_276 : vector<16xi32>
      %gather3A_800 = tpu.vector_load_idx %arg6[%add3A_799, %broadcast_in_dim3A_796] : memref<14x20xf32, #tpu.memory_space<vmem>>[vector<16xi32>, vector<16xi32>], vector<16xf32>,
      %gather3A_801 = tpu.vector_load_idx %arg7[%min3A_276, %broadcast_in_dim3A_796] : memref<22x20xf32, #tpu.memory_space<vmem>>[vector<16xi32>, vector<16xi32>], vector<16xf32>,
      %gather3A_802 = tpu.vector_load_idx %arg7[%add3A_279, %broadcast_in_dim3A_796] : memref<22x20xf32, #tpu.memory_space<vmem>>[vector<16xi32>, vector<16xi32>], vector<16xf32>,
      %slice3A_803 = vector.extract_strided_slice %gather3A_284 {offsets = [10], sizes = [1], strides = [1]} : vector<16xf32> to vector<1xf32>
      %squeeze3A_804 = vector.extract %slice3A_803[0] : f32 from vector<1xf32>
      %slice3A_805 = vector.extract_strided_slice %gather3A_512 {offsets = [10], sizes = [1], strides = [1]} : vector<16xf32> to vector<1xf32>
      %squeeze3A_806 = vector.extract %slice3A_805[0] : f32 from vector<1xf32>
      %slice3A_807 = vector.extract_strided_slice %gather3A_521 {offsets = [10], sizes = [1], strides = [1]} : vector<16xf32> to vector<1xf32>
      %squeeze3A_808 = vector.extract %slice3A_807[0] : f32 from vector<1xf32>
      %mul3A_809 = vector.broadcast %squeeze3A_806 : f32 to vector<16xf32>
      %mul3A_810 = arith.mulf %mul3A_809, %gather3A_800 : vector<16xf32>
      %add3A_811 = arith.addf %add3A_785, %mul3A_810 : vector<16xf32>
      %mul3A_812 = vector.broadcast %squeeze3A_808 : f32 to vector<16xf32>
      %mul3A_813 = arith.mulf %mul3A_812, %gather3A_800 : vector<16xf32>
      %add3A_814 = arith.addf %add3A_788, %mul3A_813 : vector<16xf32>
      %mul3A_815 = vector.broadcast %squeeze3A_804 : f32 to vector<16xf32>
      %mul3A_816 = arith.mulf %gather3A_801, %mul3A_815 : vector<16xf32>
      %add3A_817 = arith.addf %add3A_791, %mul3A_816 : vector<16xf32>
      %mul3A_818 = vector.broadcast %squeeze3A_804 : f32 to vector<16xf32>
      %mul3A_819 = arith.mulf %gather3A_802, %mul3A_818 : vector<16xf32>
      %add3A_820 = arith.addf %add3A_794, %mul3A_819 : vector<16xf32>
      %broadcast_in_dim3A_821 = arith.constant 11 : i32
      %broadcast_in_dim3A_822 = vector.broadcast %broadcast_in_dim3A_821 : i32 to vector<16xi32>
      %add3A_823 = arith.constant 2 : i32
      %add3A_824 = vector.broadcast %add3A_823 : i32 to vector<16xi32>
      %add3A_825 = arith.addi %add3A_824, %min3A_276 : vector<16xi32>
      %gather3A_826 = tpu.vector_load_idx %arg6[%add3A_825, %broadcast_in_dim3A_822] : memref<14x20xf32, #tpu.memory_space<vmem>>[vector<16xi32>, vector<16xi32>], vector<16xf32>,
      %gather3A_827 = tpu.vector_load_idx %arg7[%min3A_276, %broadcast_in_dim3A_822] : memref<22x20xf32, #tpu.memory_space<vmem>>[vector<16xi32>, vector<16xi32>], vector<16xf32>,
      %gather3A_828 = tpu.vector_load_idx %arg7[%add3A_279, %broadcast_in_dim3A_822] : memref<22x20xf32, #tpu.memory_space<vmem>>[vector<16xi32>, vector<16xi32>], vector<16xf32>,
      %slice3A_829 = vector.extract_strided_slice %gather3A_284 {offsets = [11], sizes = [1], strides = [1]} : vector<16xf32> to vector<1xf32>
      %squeeze3A_830 = vector.extract %slice3A_829[0] : f32 from vector<1xf32>
      %slice3A_831 = vector.extract_strided_slice %gather3A_512 {offsets = [11], sizes = [1], strides = [1]} : vector<16xf32> to vector<1xf32>
      %squeeze3A_832 = vector.extract %slice3A_831[0] : f32 from vector<1xf32>
      %slice3A_833 = vector.extract_strided_slice %gather3A_521 {offsets = [11], sizes = [1], strides = [1]} : vector<16xf32> to vector<1xf32>
      %squeeze3A_834 = vector.extract %slice3A_833[0] : f32 from vector<1xf32>
      %mul3A_835 = vector.broadcast %squeeze3A_832 : f32 to vector<16xf32>
      %mul3A_836 = arith.mulf %mul3A_835, %gather3A_826 : vector<16xf32>
      %add3A_837 = arith.addf %add3A_811, %mul3A_836 : vector<16xf32>
      %mul3A_838 = vector.broadcast %squeeze3A_834 : f32 to vector<16xf32>
      %mul3A_839 = arith.mulf %mul3A_838, %gather3A_826 : vector<16xf32>
      %add3A_840 = arith.addf %add3A_814, %mul3A_839 : vector<16xf32>
      %mul3A_841 = vector.broadcast %squeeze3A_830 : f32 to vector<16xf32>
      %mul3A_842 = arith.mulf %gather3A_827, %mul3A_841 : vector<16xf32>
      %add3A_843 = arith.addf %add3A_817, %mul3A_842 : vector<16xf32>
      %mul3A_844 = vector.broadcast %squeeze3A_830 : f32 to vector<16xf32>
      %mul3A_845 = arith.mulf %gather3A_828, %mul3A_844 : vector<16xf32>
      %add3A_846 = arith.addf %add3A_820, %mul3A_845 : vector<16xf32>
      %broadcast_in_dim3A_847 = arith.constant 12 : i32
      %broadcast_in_dim3A_848 = vector.broadcast %broadcast_in_dim3A_847 : i32 to vector<16xi32>
      %add3A_849 = arith.constant 2 : i32
      %add3A_850 = vector.broadcast %add3A_849 : i32 to vector<16xi32>
      %add3A_851 = arith.addi %add3A_850, %min3A_276 : vector<16xi32>
      %gather3A_852 = tpu.vector_load_idx %arg6[%add3A_851, %broadcast_in_dim3A_848] : memref<14x20xf32, #tpu.memory_space<vmem>>[vector<16xi32>, vector<16xi32>], vector<16xf32>,
      %gather3A_853 = tpu.vector_load_idx %arg7[%min3A_276, %broadcast_in_dim3A_848] : memref<22x20xf32, #tpu.memory_space<vmem>>[vector<16xi32>, vector<16xi32>], vector<16xf32>,
      %gather3A_854 = tpu.vector_load_idx %arg7[%add3A_279, %broadcast_in_dim3A_848] : memref<22x20xf32, #tpu.memory_space<vmem>>[vector<16xi32>, vector<16xi32>], vector<16xf32>,
      %slice3A_855 = vector.extract_strided_slice %gather3A_284 {offsets = [12], sizes = [1], strides = [1]} : vector<16xf32> to vector<1xf32>
      %squeeze3A_856 = vector.extract %slice3A_855[0] : f32 from vector<1xf32>
      %slice3A_857 = vector.extract_strided_slice %gather3A_512 {offsets = [12], sizes = [1], strides = [1]} : vector<16xf32> to vector<1xf32>
      %squeeze3A_858 = vector.extract %slice3A_857[0] : f32 from vector<1xf32>
      %slice3A_859 = vector.extract_strided_slice %gather3A_521 {offsets = [12], sizes = [1], strides = [1]} : vector<16xf32> to vector<1xf32>
      %squeeze3A_860 = vector.extract %slice3A_859[0] : f32 from vector<1xf32>
      %mul3A_861 = vector.broadcast %squeeze3A_858 : f32 to vector<16xf32>
      %mul3A_862 = arith.mulf %mul3A_861, %gather3A_852 : vector<16xf32>
      %add3A_863 = arith.addf %add3A_837, %mul3A_862 : vector<16xf32>
      %mul3A_864 = vector.broadcast %squeeze3A_860 : f32 to vector<16xf32>
      %mul3A_865 = arith.mulf %mul3A_864, %gather3A_852 : vector<16xf32>
      %add3A_866 = arith.addf %add3A_840, %mul3A_865 : vector<16xf32>
      %mul3A_867 = vector.broadcast %squeeze3A_856 : f32 to vector<16xf32>
      %mul3A_868 = arith.mulf %gather3A_853, %mul3A_867 : vector<16xf32>
      %add3A_869 = arith.addf %add3A_843, %mul3A_868 : vector<16xf32>
      %mul3A_870 = vector.broadcast %squeeze3A_856 : f32 to vector<16xf32>
      %mul3A_871 = arith.mulf %gather3A_854, %mul3A_870 : vector<16xf32>
      %add3A_872 = arith.addf %add3A_846, %mul3A_871 : vector<16xf32>
      %broadcast_in_dim3A_873 = arith.constant 13 : i32
      %broadcast_in_dim3A_874 = vector.broadcast %broadcast_in_dim3A_873 : i32 to vector<16xi32>
      %add3A_875 = arith.constant 2 : i32
      %add3A_876 = vector.broadcast %add3A_875 : i32 to vector<16xi32>
      %add3A_877 = arith.addi %add3A_876, %min3A_276 : vector<16xi32>
      %gather3A_878 = tpu.vector_load_idx %arg6[%add3A_877, %broadcast_in_dim3A_874] : memref<14x20xf32, #tpu.memory_space<vmem>>[vector<16xi32>, vector<16xi32>], vector<16xf32>,
      %gather3A_879 = tpu.vector_load_idx %arg7[%min3A_276, %broadcast_in_dim3A_874] : memref<22x20xf32, #tpu.memory_space<vmem>>[vector<16xi32>, vector<16xi32>], vector<16xf32>,
      %gather3A_880 = tpu.vector_load_idx %arg7[%add3A_279, %broadcast_in_dim3A_874] : memref<22x20xf32, #tpu.memory_space<vmem>>[vector<16xi32>, vector<16xi32>], vector<16xf32>,
      %slice3A_881 = vector.extract_strided_slice %gather3A_284 {offsets = [13], sizes = [1], strides = [1]} : vector<16xf32> to vector<1xf32>
      %squeeze3A_882 = vector.extract %slice3A_881[0] : f32 from vector<1xf32>
      %slice3A_883 = vector.extract_strided_slice %gather3A_512 {offsets = [13], sizes = [1], strides = [1]} : vector<16xf32> to vector<1xf32>
      %squeeze3A_884 = vector.extract %slice3A_883[0] : f32 from vector<1xf32>
      %slice3A_885 = vector.extract_strided_slice %gather3A_521 {offsets = [13], sizes = [1], strides = [1]} : vector<16xf32> to vector<1xf32>
      %squeeze3A_886 = vector.extract %slice3A_885[0] : f32 from vector<1xf32>
      %mul3A_887 = vector.broadcast %squeeze3A_884 : f32 to vector<16xf32>
      %mul3A_888 = arith.mulf %mul3A_887, %gather3A_878 : vector<16xf32>
      %add3A_889 = arith.addf %add3A_863, %mul3A_888 : vector<16xf32>
      %mul3A_890 = vector.broadcast %squeeze3A_886 : f32 to vector<16xf32>
      %mul3A_891 = arith.mulf %mul3A_890, %gather3A_878 : vector<16xf32>
      %add3A_892 = arith.addf %add3A_866, %mul3A_891 : vector<16xf32>
      %mul3A_893 = vector.broadcast %squeeze3A_882 : f32 to vector<16xf32>
      %mul3A_894 = arith.mulf %gather3A_879, %mul3A_893 : vector<16xf32>
      %add3A_895 = arith.addf %add3A_869, %mul3A_894 : vector<16xf32>
      %mul3A_896 = vector.broadcast %squeeze3A_882 : f32 to vector<16xf32>
      %mul3A_897 = arith.mulf %gather3A_880, %mul3A_896 : vector<16xf32>
      %add3A_898 = arith.addf %add3A_872, %mul3A_897 : vector<16xf32>
      %broadcast_in_dim3A_899 = arith.constant 14 : i32
      %broadcast_in_dim3A_900 = vector.broadcast %broadcast_in_dim3A_899 : i32 to vector<16xi32>
      %add3A_901 = arith.constant 2 : i32
      %add3A_902 = vector.broadcast %add3A_901 : i32 to vector<16xi32>
      %add3A_903 = arith.addi %add3A_902, %min3A_276 : vector<16xi32>
      %gather3A_904 = tpu.vector_load_idx %arg6[%add3A_903, %broadcast_in_dim3A_900] : memref<14x20xf32, #tpu.memory_space<vmem>>[vector<16xi32>, vector<16xi32>], vector<16xf32>,
      %gather3A_905 = tpu.vector_load_idx %arg7[%min3A_276, %broadcast_in_dim3A_900] : memref<22x20xf32, #tpu.memory_space<vmem>>[vector<16xi32>, vector<16xi32>], vector<16xf32>,
      %gather3A_906 = tpu.vector_load_idx %arg7[%add3A_279, %broadcast_in_dim3A_900] : memref<22x20xf32, #tpu.memory_space<vmem>>[vector<16xi32>, vector<16xi32>], vector<16xf32>,
      %slice3A_907 = vector.extract_strided_slice %gather3A_284 {offsets = [14], sizes = [1], strides = [1]} : vector<16xf32> to vector<1xf32>
      %squeeze3A_908 = vector.extract %slice3A_907[0] : f32 from vector<1xf32>
      %slice3A_909 = vector.extract_strided_slice %gather3A_512 {offsets = [14], sizes = [1], strides = [1]} : vector<16xf32> to vector<1xf32>
      %squeeze3A_910 = vector.extract %slice3A_909[0] : f32 from vector<1xf32>
      %slice3A_911 = vector.extract_strided_slice %gather3A_521 {offsets = [14], sizes = [1], strides = [1]} : vector<16xf32> to vector<1xf32>
      %squeeze3A_912 = vector.extract %slice3A_911[0] : f32 from vector<1xf32>
      %mul3A_913 = vector.broadcast %squeeze3A_910 : f32 to vector<16xf32>
      %mul3A_914 = arith.mulf %mul3A_913, %gather3A_904 : vector<16xf32>
      %add3A_915 = arith.addf %add3A_889, %mul3A_914 : vector<16xf32>
      %mul3A_916 = vector.broadcast %squeeze3A_912 : f32 to vector<16xf32>
      %mul3A_917 = arith.mulf %mul3A_916, %gather3A_904 : vector<16xf32>
      %add3A_918 = arith.addf %add3A_892, %mul3A_917 : vector<16xf32>
      %mul3A_919 = vector.broadcast %squeeze3A_908 : f32 to vector<16xf32>
      %mul3A_920 = arith.mulf %gather3A_905, %mul3A_919 : vector<16xf32>
      %add3A_921 = arith.addf %add3A_895, %mul3A_920 : vector<16xf32>
      %mul3A_922 = vector.broadcast %squeeze3A_908 : f32 to vector<16xf32>
      %mul3A_923 = arith.mulf %gather3A_906, %mul3A_922 : vector<16xf32>
      %add3A_924 = arith.addf %add3A_898, %mul3A_923 : vector<16xf32>
      %broadcast_in_dim3A_925 = arith.constant 15 : i32
      %broadcast_in_dim3A_926 = vector.broadcast %broadcast_in_dim3A_925 : i32 to vector<16xi32>
      %add3A_927 = arith.constant 2 : i32
      %add3A_928 = vector.broadcast %add3A_927 : i32 to vector<16xi32>
      %add3A_929 = arith.addi %add3A_928, %min3A_276 : vector<16xi32>
      %gather3A_930 = tpu.vector_load_idx %arg6[%add3A_929, %broadcast_in_dim3A_926] : memref<14x20xf32, #tpu.memory_space<vmem>>[vector<16xi32>, vector<16xi32>], vector<16xf32>,
      %gather3A_931 = tpu.vector_load_idx %arg7[%min3A_276, %broadcast_in_dim3A_926] : memref<22x20xf32, #tpu.memory_space<vmem>>[vector<16xi32>, vector<16xi32>], vector<16xf32>,
      %gather3A_932 = tpu.vector_load_idx %arg7[%add3A_279, %broadcast_in_dim3A_926] : memref<22x20xf32, #tpu.memory_space<vmem>>[vector<16xi32>, vector<16xi32>], vector<16xf32>,
      %slice3A_933 = vector.extract_strided_slice %gather3A_284 {offsets = [15], sizes = [1], strides = [1]} : vector<16xf32> to vector<1xf32>
      %squeeze3A_934 = vector.extract %slice3A_933[0] : f32 from vector<1xf32>
      %slice3A_935 = vector.extract_strided_slice %gather3A_512 {offsets = [15], sizes = [1], strides = [1]} : vector<16xf32> to vector<1xf32>
      %squeeze3A_936 = vector.extract %slice3A_935[0] : f32 from vector<1xf32>
      %slice3A_937 = vector.extract_strided_slice %gather3A_521 {offsets = [15], sizes = [1], strides = [1]} : vector<16xf32> to vector<1xf32>
      %squeeze3A_938 = vector.extract %slice3A_937[0] : f32 from vector<1xf32>
      %mul3A_939 = vector.broadcast %squeeze3A_936 : f32 to vector<16xf32>
      %mul3A_940 = arith.mulf %mul3A_939, %gather3A_930 : vector<16xf32>
      %add3A_941 = arith.addf %add3A_915, %mul3A_940 : vector<16xf32>
      %mul3A_942 = vector.broadcast %squeeze3A_938 : f32 to vector<16xf32>
      %mul3A_943 = arith.mulf %mul3A_942, %gather3A_930 : vector<16xf32>
      %add3A_944 = arith.addf %add3A_918, %mul3A_943 : vector<16xf32>
      %mul3A_945 = vector.broadcast %squeeze3A_934 : f32 to vector<16xf32>
      %mul3A_946 = arith.mulf %gather3A_931, %mul3A_945 : vector<16xf32>
      %add3A_947 = arith.addf %add3A_921, %mul3A_946 : vector<16xf32>
      %mul3A_948 = vector.broadcast %squeeze3A_934 : f32 to vector<16xf32>
      %mul3A_949 = arith.mulf %gather3A_932, %mul3A_948 : vector<16xf32>
      %add3A_950 = arith.addf %add3A_924, %mul3A_949 : vector<16xf32>
      %broadcast_in_dim3A_951 = arith.constant 16 : i32
      %broadcast_in_dim3A_952 = vector.broadcast %broadcast_in_dim3A_951 : i32 to vector<16xi32>
      %add3A_953 = arith.constant 2 : i32
      %add3A_954 = vector.broadcast %add3A_953 : i32 to vector<16xi32>
      %add3A_955 = arith.addi %add3A_954, %min3A_276 : vector<16xi32>
      %gather3A_956 = tpu.vector_load_idx %arg6[%add3A_955, %broadcast_in_dim3A_952] : memref<14x20xf32, #tpu.memory_space<vmem>>[vector<16xi32>, vector<16xi32>], vector<16xf32>,
      %gather3A_957 = tpu.vector_load_idx %arg7[%min3A_276, %broadcast_in_dim3A_952] : memref<22x20xf32, #tpu.memory_space<vmem>>[vector<16xi32>, vector<16xi32>], vector<16xf32>,
      %gather3A_958 = tpu.vector_load_idx %arg7[%add3A_279, %broadcast_in_dim3A_952] : memref<22x20xf32, #tpu.memory_space<vmem>>[vector<16xi32>, vector<16xi32>], vector<16xf32>,
      %slice3A_959 = vector.extract_strided_slice %gather3A_288 {offsets = [12], sizes = [1], strides = [1]} : vector<16xf32> to vector<1xf32>
      %squeeze3A_960 = vector.extract %slice3A_959[0] : f32 from vector<1xf32>
      %slice3A_961 = vector.extract_strided_slice %gather3A_518 {offsets = [12], sizes = [1], strides = [1]} : vector<16xf32> to vector<1xf32>
      %squeeze3A_962 = vector.extract %slice3A_961[0] : f32 from vector<1xf32>
      %slice3A_963 = vector.extract_strided_slice %gather3A_527 {offsets = [12], sizes = [1], strides = [1]} : vector<16xf32> to vector<1xf32>
      %squeeze3A_964 = vector.extract %slice3A_963[0] : f32 from vector<1xf32>
      %mul3A_965 = vector.broadcast %squeeze3A_962 : f32 to vector<16xf32>
      %mul3A_966 = arith.mulf %mul3A_965, %gather3A_956 : vector<16xf32>
      %add3A_967 = arith.addf %add3A_941, %mul3A_966 : vector<16xf32>
      %mul3A_968 = vector.broadcast %squeeze3A_964 : f32 to vector<16xf32>
      %mul3A_969 = arith.mulf %mul3A_968, %gather3A_956 : vector<16xf32>
      %add3A_970 = arith.addf %add3A_944, %mul3A_969 : vector<16xf32>
      %mul3A_971 = vector.broadcast %squeeze3A_960 : f32 to vector<16xf32>
      %mul3A_972 = arith.mulf %gather3A_957, %mul3A_971 : vector<16xf32>
      %add3A_973 = arith.addf %add3A_947, %mul3A_972 : vector<16xf32>
      %mul3A_974 = vector.broadcast %squeeze3A_960 : f32 to vector<16xf32>
      %mul3A_975 = arith.mulf %gather3A_958, %mul3A_974 : vector<16xf32>
      %add3A_976 = arith.addf %add3A_950, %mul3A_975 : vector<16xf32>
      %broadcast_in_dim3A_977 = arith.constant 17 : i32
      %broadcast_in_dim3A_978 = vector.broadcast %broadcast_in_dim3A_977 : i32 to vector<16xi32>
      %add3A_979 = arith.constant 2 : i32
      %add3A_980 = vector.broadcast %add3A_979 : i32 to vector<16xi32>
      %add3A_981 = arith.addi %add3A_980, %min3A_276 : vector<16xi32>
      %gather3A_982 = tpu.vector_load_idx %arg6[%add3A_981, %broadcast_in_dim3A_978] : memref<14x20xf32, #tpu.memory_space<vmem>>[vector<16xi32>, vector<16xi32>], vector<16xf32>,
      %gather3A_983 = tpu.vector_load_idx %arg7[%min3A_276, %broadcast_in_dim3A_978] : memref<22x20xf32, #tpu.memory_space<vmem>>[vector<16xi32>, vector<16xi32>], vector<16xf32>,
      %gather3A_984 = tpu.vector_load_idx %arg7[%add3A_279, %broadcast_in_dim3A_978] : memref<22x20xf32, #tpu.memory_space<vmem>>[vector<16xi32>, vector<16xi32>], vector<16xf32>,
      %slice3A_985 = vector.extract_strided_slice %gather3A_288 {offsets = [13], sizes = [1], strides = [1]} : vector<16xf32> to vector<1xf32>
      %squeeze3A_986 = vector.extract %slice3A_985[0] : f32 from vector<1xf32>
      %slice3A_987 = vector.extract_strided_slice %gather3A_518 {offsets = [13], sizes = [1], strides = [1]} : vector<16xf32> to vector<1xf32>
      %squeeze3A_988 = vector.extract %slice3A_987[0] : f32 from vector<1xf32>
      %slice3A_989 = vector.extract_strided_slice %gather3A_527 {offsets = [13], sizes = [1], strides = [1]} : vector<16xf32> to vector<1xf32>
      %squeeze3A_990 = vector.extract %slice3A_989[0] : f32 from vector<1xf32>
      %mul3A_991 = vector.broadcast %squeeze3A_988 : f32 to vector<16xf32>
      %mul3A_992 = arith.mulf %mul3A_991, %gather3A_982 : vector<16xf32>
      %add3A_993 = arith.addf %add3A_967, %mul3A_992 : vector<16xf32>
      %mul3A_994 = vector.broadcast %squeeze3A_990 : f32 to vector<16xf32>
      %mul3A_995 = arith.mulf %mul3A_994, %gather3A_982 : vector<16xf32>
      %add3A_996 = arith.addf %add3A_970, %mul3A_995 : vector<16xf32>
      %mul3A_997 = vector.broadcast %squeeze3A_986 : f32 to vector<16xf32>
      %mul3A_998 = arith.mulf %gather3A_983, %mul3A_997 : vector<16xf32>
      %add3A_999 = arith.addf %add3A_973, %mul3A_998 : vector<16xf32>
      %mul3A_1000 = vector.broadcast %squeeze3A_986 : f32 to vector<16xf32>
      %mul3A_1001 = arith.mulf %gather3A_984, %mul3A_1000 : vector<16xf32>
      %add3A_1002 = arith.addf %add3A_976, %mul3A_1001 : vector<16xf32>
      %broadcast_in_dim3A_1003 = arith.constant 18 : i32
      %broadcast_in_dim3A_1004 = vector.broadcast %broadcast_in_dim3A_1003 : i32 to vector<16xi32>
      %add3A_1005 = arith.constant 2 : i32
      %add3A_1006 = vector.broadcast %add3A_1005 : i32 to vector<16xi32>
      %add3A_1007 = arith.addi %add3A_1006, %min3A_276 : vector<16xi32>
      %gather3A_1008 = tpu.vector_load_idx %arg6[%add3A_1007, %broadcast_in_dim3A_1004] : memref<14x20xf32, #tpu.memory_space<vmem>>[vector<16xi32>, vector<16xi32>], vector<16xf32>,
      %gather3A_1009 = tpu.vector_load_idx %arg7[%min3A_276, %broadcast_in_dim3A_1004] : memref<22x20xf32, #tpu.memory_space<vmem>>[vector<16xi32>, vector<16xi32>], vector<16xf32>,
      %gather3A_1010 = tpu.vector_load_idx %arg7[%add3A_279, %broadcast_in_dim3A_1004] : memref<22x20xf32, #tpu.memory_space<vmem>>[vector<16xi32>, vector<16xi32>], vector<16xf32>,
      %slice3A_1011 = vector.extract_strided_slice %gather3A_288 {offsets = [14], sizes = [1], strides = [1]} : vector<16xf32> to vector<1xf32>
      %squeeze3A_1012 = vector.extract %slice3A_1011[0] : f32 from vector<1xf32>
      %slice3A_1013 = vector.extract_strided_slice %gather3A_518 {offsets = [14], sizes = [1], strides = [1]} : vector<16xf32> to vector<1xf32>
      %squeeze3A_1014 = vector.extract %slice3A_1013[0] : f32 from vector<1xf32>
      %slice3A_1015 = vector.extract_strided_slice %gather3A_527 {offsets = [14], sizes = [1], strides = [1]} : vector<16xf32> to vector<1xf32>
      %squeeze3A_1016 = vector.extract %slice3A_1015[0] : f32 from vector<1xf32>
      %mul3A_1017 = vector.broadcast %squeeze3A_1014 : f32 to vector<16xf32>
      %mul3A_1018 = arith.mulf %mul3A_1017, %gather3A_1008 : vector<16xf32>
      %add3A_1019 = arith.addf %add3A_993, %mul3A_1018 : vector<16xf32>
      %mul3A_1020 = vector.broadcast %squeeze3A_1016 : f32 to vector<16xf32>
      %mul3A_1021 = arith.mulf %mul3A_1020, %gather3A_1008 : vector<16xf32>
      %add3A_1022 = arith.addf %add3A_996, %mul3A_1021 : vector<16xf32>
      %mul3A_1023 = vector.broadcast %squeeze3A_1012 : f32 to vector<16xf32>
      %mul3A_1024 = arith.mulf %gather3A_1009, %mul3A_1023 : vector<16xf32>
      %add3A_1025 = arith.addf %add3A_999, %mul3A_1024 : vector<16xf32>
      %mul3A_1026 = vector.broadcast %squeeze3A_1012 : f32 to vector<16xf32>
      %mul3A_1027 = arith.mulf %gather3A_1010, %mul3A_1026 : vector<16xf32>
      %add3A_1028 = arith.addf %add3A_1002, %mul3A_1027 : vector<16xf32>
      %broadcast_in_dim3A_1029 = arith.constant 19 : i32
      %broadcast_in_dim3A_1030 = vector.broadcast %broadcast_in_dim3A_1029 : i32 to vector<16xi32>
      %add3A_1031 = arith.constant 2 : i32
      %add3A_1032 = vector.broadcast %add3A_1031 : i32 to vector<16xi32>
      %add3A_1033 = arith.addi %add3A_1032, %min3A_276 : vector<16xi32>
      %gather3A_1034 = tpu.vector_load_idx %arg6[%add3A_1033, %broadcast_in_dim3A_1030] : memref<14x20xf32, #tpu.memory_space<vmem>>[vector<16xi32>, vector<16xi32>], vector<16xf32>,
      %gather3A_1035 = tpu.vector_load_idx %arg7[%min3A_276, %broadcast_in_dim3A_1030] : memref<22x20xf32, #tpu.memory_space<vmem>>[vector<16xi32>, vector<16xi32>], vector<16xf32>,
      %gather3A_1036 = tpu.vector_load_idx %arg7[%add3A_279, %broadcast_in_dim3A_1030] : memref<22x20xf32, #tpu.memory_space<vmem>>[vector<16xi32>, vector<16xi32>], vector<16xf32>,
      %slice3A_1037 = vector.extract_strided_slice %gather3A_288 {offsets = [15], sizes = [1], strides = [1]} : vector<16xf32> to vector<1xf32>
      %squeeze3A_1038 = vector.extract %slice3A_1037[0] : f32 from vector<1xf32>
      %slice3A_1039 = vector.extract_strided_slice %gather3A_518 {offsets = [15], sizes = [1], strides = [1]} : vector<16xf32> to vector<1xf32>
      %squeeze3A_1040 = vector.extract %slice3A_1039[0] : f32 from vector<1xf32>
      %slice3A_1041 = vector.extract_strided_slice %gather3A_527 {offsets = [15], sizes = [1], strides = [1]} : vector<16xf32> to vector<1xf32>
      %squeeze3A_1042 = vector.extract %slice3A_1041[0] : f32 from vector<1xf32>
      %mul3A_1043 = vector.broadcast %squeeze3A_1040 : f32 to vector<16xf32>
      %mul3A_1044 = arith.mulf %mul3A_1043, %gather3A_1034 : vector<16xf32>
      %add3A_1045 = arith.addf %add3A_1019, %mul3A_1044 : vector<16xf32>
      %mul3A_1046 = vector.broadcast %squeeze3A_1042 : f32 to vector<16xf32>
      %mul3A_1047 = arith.mulf %mul3A_1046, %gather3A_1034 : vector<16xf32>
      %add3A_1048 = arith.addf %add3A_1022, %mul3A_1047 : vector<16xf32>
      %mul3A_1049 = vector.broadcast %squeeze3A_1038 : f32 to vector<16xf32>
      %mul3A_1050 = arith.mulf %gather3A_1035, %mul3A_1049 : vector<16xf32>
      %add3A_1051 = arith.addf %add3A_1025, %mul3A_1050 : vector<16xf32>
      %mul3A_1052 = vector.broadcast %squeeze3A_1038 : f32 to vector<16xf32>
      %mul3A_1053 = arith.mulf %gather3A_1036, %mul3A_1052 : vector<16xf32>
      %add3A_1054 = arith.addf %add3A_1028, %mul3A_1053 : vector<16xf32>
      %slice3A_1055 = vector.extract_strided_slice %gather3A_290 {offsets = [10], sizes = [1], strides = [1]} : vector<16xf32> to vector<1xf32>
      %squeeze3A_1056 = vector.extract %slice3A_1055[0] : f32 from vector<1xf32>
      %add3A_1057 = vector.broadcast %squeeze3A_1056 : f32 to vector<16xf32>
      %add3A_1058 = arith.addf %gather3A_289, %add3A_1057 : vector<16xf32>
      %add3A_1059 = arith.addf %add3A_1045, %add3A_1051 : vector<16xf32>
      %add3A_1060 = arith.addf %add3A_1059, %add3A_1058 : vector<16xf32>
      %swap3A = arith.constant 0 : index
      %swap3A_1061 = tpu.vector_load %arg8[%swap3A] {strides = array<i32>} : memref<32xf32, #tpu.memory_space<vmem>>, vector<16xf32>,
      tpu.vector_store %arg8[%swap3A], %add3A_1060 {strides = array<i32>} : memref<32xf32, #tpu.memory_space<vmem>>, vector<16xf32>,
      %add3A_1062 = arith.addf %add3A_1048, %add3A_1054 : vector<16xf32>
      %add3A_1063 = arith.addf %add3A_1062, %add3A_1058 : vector<16xf32>
      %swap3A_1064 = arith.constant 16 : index
      %swap3A_1065 = tpu.vector_load %arg8[%swap3A_1064] {strides = array<i32>} : memref<32xf32, #tpu.memory_space<vmem>>, vector<16xf32>,
      tpu.vector_store %arg8[%swap3A_1064], %add3A_1063 {strides = array<i32>} : memref<32xf32, #tpu.memory_space<vmem>>, vector<16xf32>,
      %run_scoped3A = arith.constant 0 : i32
      "tpu.region"() ({
        %run_scoped3A_1067 = tpu.sem_alloc : memref<!tpu.dma_semaphore, #tpu.memory_space<semaphore_mem>>
        %dma_start3A_1068 = arith.constant 0 : i32
        %dma_start3A_1069 = tpu.memref_slice %arg8[%dma_start3A_1068] : memref<32xf32, #tpu.memory_space<vmem>> -> memref<10xf32, #tpu.memory_space<vmem>>
        %dma_start3A_1070 = arith.constant 0 : i32
        %dma_start3A_1071 = tpu.memref_slice %arg4[%run_scoped3A, %dma_start3A_1070] : memref<1x10xf32, #tpu.memory_space<hbm>> -> memref<1x10xf32, #tpu.memory_space<hbm>>
        %dma_start3A_1072 = tpu.memref_squeeze %dma_start3A_1071 : memref<1x10xf32, #tpu.memory_space<hbm>> -> memref<10xf32, #tpu.memory_space<hbm>>
        %dma_start3A_1073 = arith.constant 0 : i32
        %dma_start3A_1074 = tpu.memref_slice %arg4[%run_scoped3A, %dma_start3A_1073] : memref<1x10xf32, #tpu.memory_space<hbm>> -> memref<1x10xf32, #tpu.memory_space<hbm>>
        %dma_start3A_1075 = tpu.memref_squeeze %dma_start3A_1074 : memref<1x10xf32, #tpu.memory_space<hbm>> -> memref<10xf32, #tpu.memory_space<hbm>>
        %dma_start3A_1076 = arith.constant 0 : i32
        %dma_start3A_1077 = tpu.memref_slice %arg8[%dma_start3A_1076] : memref<32xf32, #tpu.memory_space<vmem>> -> memref<10xf32, #tpu.memory_space<vmem>>
        tpu.enqueue_dma source(%dma_start3A_1077 : memref<10xf32, #tpu.memory_space<vmem>>) target(%dma_start3A_1075 : memref<10xf32, #tpu.memory_space<hbm>>) target_semaphore(%run_scoped3A_1067 : memref<!tpu.dma_semaphore, #tpu.memory_space<semaphore_mem>>)
        %dma_wait3A_1078 = arith.constant 0 : i32
        %dma_wait3A_1079 = tpu.memref_slice %arg8[%dma_wait3A_1078] : memref<32xf32, #tpu.memory_space<vmem>> -> memref<10xf32, #tpu.memory_space<vmem>>
        %dma_wait3A_1080 = arith.constant 0 : i32
        %dma_wait3A_1081 = tpu.memref_slice %arg4[%run_scoped3A, %dma_wait3A_1080] : memref<1x10xf32, #tpu.memory_space<hbm>> -> memref<1x10xf32, #tpu.memory_space<hbm>>
        %dma_wait3A_1082 = tpu.memref_squeeze %dma_wait3A_1081 : memref<1x10xf32, #tpu.memory_space<hbm>> -> memref<10xf32, #tpu.memory_space<hbm>>
        %dma_wait3A_1083 = arith.constant 0 : i32
        %dma_wait3A_1084 = tpu.memref_slice %arg4[%run_scoped3A, %dma_wait3A_1083] : memref<1x10xf32, #tpu.memory_space<hbm>> -> memref<1x10xf32, #tpu.memory_space<hbm>>
        %dma_wait3A_1085 = tpu.memref_squeeze %dma_wait3A_1084 : memref<1x10xf32, #tpu.memory_space<hbm>> -> memref<10xf32, #tpu.memory_space<hbm>>
        %dma_wait3A_1086 = arith.constant 0 : i32
        %dma_wait3A_1087 = tpu.memref_slice %arg8[%dma_wait3A_1086] : memref<32xf32, #tpu.memory_space<vmem>> -> memref<10xf32, #tpu.memory_space<vmem>>
        tpu.wait_dma2 semaphore(%run_scoped3A_1067 : memref<!tpu.dma_semaphore, #tpu.memory_space<semaphore_mem>>) src(%dma_wait3A_1087 : memref<10xf32, #tpu.memory_space<vmem>>) dst(%dma_wait3A_1085 : memref<10xf32, #tpu.memory_space<hbm>>)
        tpu.yield
      }) : () -> ()
      %run_scoped3A_1066 = arith.constant 0 : i32
      "tpu.region"() ({
        %run_scoped3A_1067 = tpu.sem_alloc : memref<!tpu.dma_semaphore, #tpu.memory_space<semaphore_mem>>
        %dma_start3A_1068 = arith.constant 16 : i32
        %dma_start3A_1069 = tpu.memref_slice %arg8[%dma_start3A_1068] : memref<32xf32, #tpu.memory_space<vmem>> -> memref<10xf32, #tpu.memory_space<vmem>>
        %dma_start3A_1070 = arith.constant 0 : i32
        %dma_start3A_1071 = tpu.memref_slice %arg5[%run_scoped3A_1066, %dma_start3A_1070] : memref<1x10xf32, #tpu.memory_space<hbm>> -> memref<1x10xf32, #tpu.memory_space<hbm>>
        %dma_start3A_1072 = tpu.memref_squeeze %dma_start3A_1071 : memref<1x10xf32, #tpu.memory_space<hbm>> -> memref<10xf32, #tpu.memory_space<hbm>>
        %dma_start3A_1073 = arith.constant 0 : i32
        %dma_start3A_1074 = tpu.memref_slice %arg5[%run_scoped3A_1066, %dma_start3A_1073] : memref<1x10xf32, #tpu.memory_space<hbm>> -> memref<1x10xf32, #tpu.memory_space<hbm>>
        %dma_start3A_1075 = tpu.memref_squeeze %dma_start3A_1074 : memref<1x10xf32, #tpu.memory_space<hbm>> -> memref<10xf32, #tpu.memory_space<hbm>>
        %dma_start3A_1076 = arith.constant 16 : i32
        %dma_start3A_1077 = tpu.memref_slice %arg8[%dma_start3A_1076] : memref<32xf32, #tpu.memory_space<vmem>> -> memref<10xf32, #tpu.memory_space<vmem>>
        tpu.enqueue_dma source(%dma_start3A_1077 : memref<10xf32, #tpu.memory_space<vmem>>) target(%dma_start3A_1075 : memref<10xf32, #tpu.memory_space<hbm>>) target_semaphore(%run_scoped3A_1067 : memref<!tpu.dma_semaphore, #tpu.memory_space<semaphore_mem>>)
        %dma_wait3A_1078 = arith.constant 16 : i32
        %dma_wait3A_1079 = tpu.memref_slice %arg8[%dma_wait3A_1078] : memref<32xf32, #tpu.memory_space<vmem>> -> memref<10xf32, #tpu.memory_space<vmem>>
        %dma_wait3A_1080 = arith.constant 0 : i32
        %dma_wait3A_1081 = tpu.memref_slice %arg5[%run_scoped3A_1066, %dma_wait3A_1080] : memref<1x10xf32, #tpu.memory_space<hbm>> -> memref<1x10xf32, #tpu.memory_space<hbm>>
        %dma_wait3A_1082 = tpu.memref_squeeze %dma_wait3A_1081 : memref<1x10xf32, #tpu.memory_space<hbm>> -> memref<10xf32, #tpu.memory_space<hbm>>
        %dma_wait3A_1083 = arith.constant 0 : i32
        %dma_wait3A_1084 = tpu.memref_slice %arg5[%run_scoped3A_1066, %dma_wait3A_1083] : memref<1x10xf32, #tpu.memory_space<hbm>> -> memref<1x10xf32, #tpu.memory_space<hbm>>
        %dma_wait3A_1085 = tpu.memref_squeeze %dma_wait3A_1084 : memref<1x10xf32, #tpu.memory_space<hbm>> -> memref<10xf32, #tpu.memory_space<hbm>>
        %dma_wait3A_1086 = arith.constant 16 : i32
        %dma_wait3A_1087 = tpu.memref_slice %arg8[%dma_wait3A_1086] : memref<32xf32, #tpu.memory_space<vmem>> -> memref<10xf32, #tpu.memory_space<vmem>>
        tpu.wait_dma2 semaphore(%run_scoped3A_1067 : memref<!tpu.dma_semaphore, #tpu.memory_space<semaphore_mem>>) src(%dma_wait3A_1087 : memref<10xf32, #tpu.memory_space<vmem>>) dst(%dma_wait3A_1085 : memref<10xf32, #tpu.memory_space<hbm>>)
        tpu.yield
      }) : () -> ()
    } else {
    }
    return
  }
}

</mosaic_0001>

<sc_bundles>
// kernel: kernel.3.cloned.1.call-start
scs
__scs_entry_jumppad:
0x0: {  	(pc) =	sbr.rel $0x88, $3  }
0x1: {  	(tag) =	ssettag $0x0;
	lr =	simm.s32 $0x1  }
0x2: {  	[smem:$0x3F98] =	sst lr;
	_ =	strace $0xD0000000  }
0x3: {  	_ = 	snop  }
0x4: {  	_ = 	snop  }
0x5: {  	_ = 	snop  }
0x6: {  	_ = 	snop  }
0x7: {  	_ = 	snop  }
__scs_overlays_trampoline_lowered:
0x8: {  	[smem:$0x3FA7] =	sst s0  }
0x9: {  	[smem:$0x3FA8] =	sst s1  }
0xa: {  	[smem:$0x3FA9] =	sst s2  }
0xb: {  	[smem:$0x3FAA] =	sst s3  }
0xc: {  	[smem:$0x3FAB] =	sst s4  }
0xd: {  	[smem:$0x3FAC] =	sst s5  }
0xe: {  	[smem:$0x3FAD] =	sst s6  }
0xf: {  	[smem:$0x3FAE] =	sst s7  }
0x10: {  	[smem:$0x3FAF] =	sst s8  }
0x11: {  	[smem:$0x3FB0] =	sst s9;
	s0 =	simm.s32 @!p0 $0x0  }
0x12: {  	s1 =	sld [smem:$0x3F96];
	s0 =	simm.s32 @p0 $0x1  }
0x13: {  	[smem:$0x3FB1] =	sst s0;
	s0 =	simm.s32 @!p1 $0x0  }
0x14: {  	s2 =	sld [smem:$0x3F95];
	s0 =	simm.s32 @p1 $0x1  }
0x15: {  	[smem:$0x3FB2] =	sst s0;
	s0 =	simm.s32 @!p2 $0x0  }
0x16: {  	s3 =	sld [smem:$0x3FDB];
	s0 =	simm.s32 @p2 $0x1  }
0x17: {  	s4 =	simm.s32 $0x1BF5;
	[smem:$0x3FB4] =	sst s0  }
0x18: {  	s0 =	sld [smem:$0x3F97];
	_ =	swait.ge [sflag:s4], $0x0  }
0x19: {  	s7 =	sld [smem:$0x3F98]  }
0x1a: {  	s8 =	sadd.s32 $0xFFFFE003, lr  }
0x1b: {  	s9 =	sadd.s32 $0xFFFFFEF7, lr;
	s5 =	simm.s32 $0xFFFFFFFF;
	p2 =	slt.u32 s8, $0xFFFFF086  }
0x1c: {  	p1 =	slt.u32 s9, $0xF7A;
	s5 =	simm.s32 @!p2 $0x0  }
0x1d: {  	s5 =	simm.s32 @p1 $0x1;
	p0 =	seq.s32 s7, s2  }
0x1e: {  	s7 =	smul.u32 @!p0 $0xF7A, s2;
	p2 =	seq.s32 @!p0 s5, $0x0  }
0x1f: {  	s9 =	smul.u32 $0xF7A, s1;
	s8 =	simm.s32 @!p0 $0x1BF5;
	p2 =	por !p2, p0  }
0x20: {  	[sflag:s8] =	ssyncset.s32 @!p0 $0xFFFFF086;
	s6 =	sadd.s32 @!p0 s3, s7;
	s7 =	simm.s32 @!p0 $0x108  }
0x21: {  	s3 =	sadd.s32 s3, s9;
	s6 =	sadd.s32 @!p0 $0x88, s6;
	s7 =	simm.s32 @p2 $0x1082  }
0x22: {  	[simem:s7], [sflag:s8] =	dma.local @!p0 [hbm:s6], $0xF7A  }
0x23: {  	s9 =	sor.u32 $0xD0000000, s2;
	s6 =	simm.s32 $0x108;
	_ =	swait.ge @!p0 [sflag:s8], $0x0  }
0x24: {  	s3 =	sadd.s32 $0x88, s3;
	s6 =	simm.s32 @!p1 $0x1082;
	[sflag:s4] =	ssyncset.s32 $0xFFFFF086  }
0x25: {  	[simem:s6], [sflag:s4] =	dma.local [hbm:s3], $0xF7A  }
0x26: {  	[smem:$0x3F98] =	sst s1;
	(tag) =	ssettag s2;
	_ =	strace s9  }
0x27: {  	s1 =	sld [smem:$0x3FA8]  }
0x28: {  	s2 =	sld [smem:$0x3FA9]  }
0x29: {  	s4 =	sld [smem:$0x3FAB]  }
0x2a: {  	p0 =	seq.s32 s5, $0x0;
	s5 =	sld [smem:$0x3FAC]  }
0x2b: {  	s6 =	sld [smem:$0x3FAD]  }
0x2c: {  	s7 =	sld [smem:$0x3FAE]  }
0x2d: {  	s3 =	simm.s32 $0x108;
	s8 =	sld [smem:$0x3FAF]  }
0x2e: {  	s3 =	simm.s32 @!p0 $0x1082;
	s9 =	sld [smem:$0x3FB0]  }
0x2f: {  	lr =	sadd.s32 s0, s3;
	s0 =	sld [smem:$0x3FA7]  }
0x30: {  	s3 =	sld [smem:$0x3FAA]  }
0x31: {  	[smem:$0x3FB3] =	sst s10  }
0x32: {  	s10 =	sld [smem:$0x3FB1];
	_ =	sdelay $0x3  }
0x33: {  	p0 =	seq.s32 s10, $0x1;
	s10 =	sld [smem:$0x3FB3];
	_ =	sdelay $0x3  }
0x34: {  	[smem:$0x3FB3] =	sst s10  }
0x35: {  	s10 =	sld [smem:$0x3FB2];
	_ =	sdelay $0x3  }
0x36: {  	p1 =	seq.s32 s10, $0x1;
	s10 =	sld [smem:$0x3FB3];
	_ =	sdelay $0x3  }
0x37: {  	[smem:$0x3FB3] =	sst s10  }
0x38: {  	s10 =	sld [smem:$0x3FB4]  }
0x39: {  	_ = 	snop;
	(pc) =	sbr.ind lr, $3  }
0x3a: {  	_ = 	snop  }
0x3b: {  	_ = 	snop  }
0x3c: {  	p2 =	seq.s32 s10, $0x1;
	s10 =	sld [smem:$0x3FB3]  }
0x3d: {  	_ =	shalt  }
0x3e: {  	_ =	shalt  }
0x3f: {  	_ =	shalt  }
0x40: {  	_ =	shalt  }
0x41: {  	_ =	shalt  }
0x42: {  	_ =	shalt  }
0x43: {  	_ =	shalt  }
0x44: {  	_ =	shalt  }
0x45: {  	_ =	shalt  }
0x46: {  	_ =	shalt  }
0x47: {  	_ =	shalt  }
0x48: {  	_ =	shalt  }
0x49: {  	_ =	shalt  }
0x4a: {  	_ =	shalt  }
0x4b: {  	_ =	shalt  }
0x4c: {  	_ =	shalt  }
0x4d: {  	_ =	shalt  }
0x4e: {  	_ =	shalt  }
0x4f: {  	_ =	shalt  }
0x50: {  	_ =	shalt  }
0x51: {  	_ =	shalt  }
0x52: {  	_ =	shalt  }
0x53: {  	_ =	shalt  }
0x54: {  	_ =	shalt  }
0x55: {  	_ =	shalt  }
0x56: {  	_ =	shalt  }
0x57: {  	_ =	shalt  }
0x58: {  	_ =	shalt  }
0x59: {  	_ =	shalt  }
0x5a: {  	_ =	shalt  }
0x5b: {  	_ =	shalt  }
0x5c: {  	_ =	shalt  }
0x5d: {  	_ =	shalt  }
0x5e: {  	_ =	shalt  }
0x5f: {  	_ =	shalt  }
0x60: {  	_ =	shalt  }
0x61: {  	_ =	shalt  }
0x62: {  	_ =	shalt  }
0x63: {  	_ =	shalt  }
0x64: {  	_ =	shalt  }
0x65: {  	_ =	shalt  }
0x66: {  	_ =	shalt  }
0x67: {  	_ =	shalt  }
0x68: {  	_ =	shalt  }
0x69: {  	_ =	shalt  }
0x6a: {  	_ =	shalt  }
0x6b: {  	_ =	shalt  }
0x6c: {  	_ =	shalt  }
0x6d: {  	_ =	shalt  }
0x6e: {  	_ =	shalt  }
0x6f: {  	_ =	shalt  }
0x70: {  	_ =	shalt  }
0x71: {  	_ =	shalt  }
0x72: {  	_ =	shalt  }
0x73: {  	_ =	shalt  }
0x74: {  	_ =	shalt  }
0x75: {  	_ =	shalt  }
0x76: {  	_ =	shalt  }
0x77: {  	_ =	shalt  }
0x78: {  	_ =	shalt  }
0x79: {  	_ =	shalt  }
0x7a: {  	_ =	shalt  }
0x7b: {  	_ =	shalt  }
0x7c: {  	_ =	shalt  }
0x7d: {  	_ =	shalt  }
0x7e: {  	_ =	shalt  }
0x7f: {  	_ =	shalt  }
0x80: {  	_ =	shalt  }
0x81: {  	_ =	shalt  }
0x82: {  	_ =	shalt  }
0x83: {  	_ =	shalt  }
0x84: {  	_ =	shalt  }
0x85: {  	_ =	shalt  }
0x86: {  	_ =	shalt  }
0x87: {  	_ =	shalt  }
.Lfunc_end0:
.L_simem_size_0:
called_computation_lowered:
.L_overlay_start_0:
0x88: {  	s0 =	sld [smem:$0x3FD9]  }
0x89: {  	s1 =	sld [smem:$0x3FFE];
	_ =	sdelay $0x3  }
0x8a: {  	s0 =	sadd.s32 s1, s0  }
0x8b: {  	[smem:$0x3FBF] =	sst s0  }
0x8c: {  	_ = 	snop  }
0x8d: {  	s0 =	sld [smem:$0x3FD0];
	_ =	sdelay $0x2  }
0x8e: {  	s13 =	simm.s32 $0xA;
	s2 =	simm.s32 $0x10  }
0x8f: {  	[smem:s2], [sflag:s13] =	dma.local [hbm:s0], $0x1  }
0x90: {  	_ =	swait.eq [sflag:s13], $0x1  }
0x91: {  	[sflag:s13] =	ssyncset.done $0x0  }
0x92: {  	s14 =	sld [smem:$0x10];
	[sflag:s13] =	ssyncadd.s32 $0xFFFFFFFF  }
0x93: {  	s15 =	sld [smem:$0x11];
	(tm) =	ssettm $0x1  }
0x94: {  	s16 =	sld [smem:$0x3FFB];
	_ =	sdelay $0x3  }
0x95: {  	_ =	strace s16  }
0x96: {  	s2 =	sld [smem:$0x3FFC];
	_ =	sdelay $0x3  }
0x97: {  	_ =	strace s2  }
0x98: {  	s2 =	sld [smem:$0x3FFD];
	_ =	sdelay $0x3  }
0x99: {  	_ =	strace s2  }
0x9a: {  	_ =	strace $0x8FFFFFFF  }
0x9b: {  	s17 =	sld [smem:$0x3FDB];
	_ =	sdelay $0x1  }
0x9c: {  	s3 =	simm.s32 $_scs_section_size  }
0x9d: {  	s4 =	simm.s32 $_size__tile_overlayer_lowered;
	s5 =	simm.s32 $_tile_overlayer_lowered  }
0x9e: {  	s20 =	simm.s32 $0x1BFF;
	s19 =	sshll.u32 s5, $0x1;
	s2 =	sadd.s32 s3, s17  }
0x9f: {  	s6 =	simm.s32 $0x0;
	s18 =	sshll.u32 s4, $0x1;
	s4 =	sadd.s32 s19, s2  }
0xa0: {  	[timem:s6], [sflag:s20] =	dma.local [hbm:s4], s18  }
0xa1: {  	_ =	swait.ge [sflag:s20], s18  }
0xa2: {  	s3 =	ssub.s32 $0x0, s18;
	[sflag:s20] =	ssyncset.done $0x0  }
0xa3: {  	[sflag:s20] =	ssyncadd.s32 s3;
	_ =	sdelay $0x1  }
0xa4: {  	s21 =	simm.s32 $0x1B8B  }
0xa5: {  	_ =	swait.ge [sflag:s21], $0x1  }
0xa6: {  	[sflag:s21] =	ssyncset.done $0x0  }
0xa7: {  	s23 =	simm.s32 $0x1B8E;
	s22 =	sld [smem:$0x3FFE];
	[sflag:s21] =	ssyncadd.s32 $0xFFFFFFFF  }
0xa8: {  	s24 =	simm.s32 $execute0_lowered;
	[smem:$0x3FD2] =	sst s23  }
0xa9: {  	s4 =	sshll.u32 s24, $0x1;
	_ =	strace $0x80000046;
	[dreg:$0x1] =	wrdreg $0xFFFFFFFF  }
0xaa: {  	s25 =	simm.s32 $_size_execute0_lowered;
	s2 =	sadd.s32 s2, s4;
	[dreg:$0x0] =	wrdreg $0x0  }
0xab: {  	s4 =	sshll.u32 s25, $0x1;
	[dreg:$0x2] =	wrdreg s2  }
0xac: {  	[dreg:$0x3] =	wrdreg s4  }
0xad: {  	[dreg:$0x4] =	wrdreg $0xC0  }
0xae: {  	_ =	task [dreg:s6], $0x5FFFF  }
0xaf: {  	[dreg:$0x1] =	wrdreg $0xFFFFFFFF  }
0xb0: {  	[dreg:$0x0] =	wrdreg $0x60  }
0xb1: {  	[dreg:$0x2] =	wrdreg s22  }
0xb2: {  	[dreg:$0x3] =	wrdreg s14  }
0xb3: {  	[dreg:$0x4] =	wrdreg s15  }
0xb4: {  	[dreg:$0x5] =	wrdreg $0x9  }
0xb5: {  	_ =	task.clear_ibuf [dreg:s6], $0x6FFFF;
	_ =	strace $0x90000046  }
0xb6: {  	s26 =	simm.s32 $0x9;
	_ =	strace $0x80000048  }
0xb7: {  	_ =	swait.ge [sflag:s26], $0x1  }
0xb8: {  	[sflag:s26] =	ssyncadd.s32 $0xFFFFFFFF  }
0xb9: {  	_ =	strace $0x90000048  }
0xba: {  	_ =	sfence  }
0xbb: {  	s28 =	sld [smem:$0x0];
	_ =	sdelay $0x1  }
0xbc: {  	s29 =	srdreg.scid  }
0xbd: {  	s30 =	sshll.u32 s29, $0xD;
	s31 =	sshrl.u32 s29, $0x2  }
0xbe: {  	s1 =	sand.u32 $0x1, s29;
	s2 =	sand.u32 $0x4000, s30;
	s0 =	sadd.s32 s31, s28  }
0xbf: {  	s1 =	sor.u32 s2, s1;
	s0 =	sshll.u32 s0, $0x11  }
0xc0: {  	s0 =	sor.u32 s0, s1  }
0xc1: {  	s0 =	sadd.s32 $0x8F2B, s0  }
0xc2: {  	[sflag:s0] =	ssyncadd.remote.s32 $0x1  }
0xc3: {  	_ =	sfence.sel $0xFFFF  }
0xc4: {  	[dreg:$0x0] =	wrdreg $0xFFFFFFFF;
	(pc) =	sbr.abs _section_cstart, $3  }
0xc5: {  	[dreg:$0x1] =	wrdreg $0xFFFFFFFF  }
0xc6: {  	_ =	task.clear_ibuf [dreg:s6], $0x2FFFF;
	_ =	strace $0x9FFFFFFF  }
0xc7: {  	(tm) =	ssettm $0x7FFFFFFF  }
tec
execute0_lowered:
.L_overlay_start_1:
0x0: {  	(tag) =	ssettag $0x1  }
0x1: {  	s4 =	stileid.u32  }
0x2: {  	p0 =	sne.s32 s4, $0x0  }
.Ltmp0:
0x3: {  	s5 =	rddreg [dreg:$0x0];
	(pc) =	sbr.rel @p0 .LBB2_2-.Ltmp0, $4  }
0x4: {  	s3 =	rddreg [dreg:$0x1]  }
0x5: {  	s1 =	rddreg [dreg:$0x2];
	s2 =	simm.s32 $0x0  }
0x6: {  	[smem:$0x7FF] =	sst s2  }
0x7: {  	s0 =	rddreg [dreg:$0x3];
	_ =	strace $0x80000047  }
0x8: {  	s4 =	sadd.s32 $0xE00, s5  }
0x9: {  	v6 =	vlaneseq.u32;
	[tilespmem:s2], [sflag:$0x2] =	stream.linear.gather [hbm4b:s4+s2], $0x700, $0x38;
	[tilespmem:$0x1480] =	vst v63  }
0xa: {  	s4 =	simm.s32 $0x2  }
0xb: {  	_ =	swait.ge [sflag:s4], $0x700  }
0xc: {  	[sflag:s4] =	ssyncset.done $0x0  }
0xd: {  	[sflag:s4] =	ssyncadd.s32 $0xFFFFF900  }
0xe: {  	v0 =	vld.idx.msk [tilespmem:v6+s2+$0x0], $0xffff;
	_ =	sdelay $0x4  }
0xf: {  	v0 =	vshll.u32 v0, $0x4  }
0x10: {  	(v2sf) =	vpush v0, $0x0;
	_ =	sdelay $0x1  }
0x11: {  	(v2sf) =	vpush v0, $0x1;
	_ =	sdelay $0x3  }
0x12: {  	(v2sf) =	vpush v0, $0x2;
	_ =	sdelay $0x2  }
0x13: {  	(v2sf) =	vpush v0, $0x3;
	_ =	sdelay $0x5  }
0x14: {  	s7 =	spop (v2sf);
	(v2sf) =	vpush v0, $0x4;
	_ =	sdelay $0x1  }
0x15: {  	s10 =	spop (v2sf);
	(v2sf) =	vpush v0, $0x5;
	_ =	sdelay $0x3  }
0x16: {  	s11 =	spop (v2sf);
	(v2sf) =	vpush v0, $0x6;
	_ =	sdelay $0x2  }
0x17: {  	s13 =	spop (v2sf);
	(v2sf) =	vpush v0, $0x7  }
0x18: {  	v1 =	vadd.s32 $0x4, v6  }
0x19: {  	v2 =	vor.u32 $0x80, v6;
	_ =	sdelay $0x2  }
0x1a: {  	s6 =	sadd.s32 $0x1000, s5;
	s9 =	sand.u32 $0x1FFFFFF0, s7  }
0x1b: {  	s5 =	simm.s32 $0x800;
	v1 =	vld.idx.msk [tilespmem:v1+s2+$0x0], $0xffff;
	s7 =	sadd.s32 s6, s9;
	s15 =	spop (v2sf);
	(v2sf) =	vpush v0, $0x8  }
0x1c: {  	v2 =	vld.idx.msk [tilespmem:v2+s2+$0x0], $0xffff;
	[tilespmem:s5], [sflag:$0x1] =	stream.linear.gather [hbm4b:s7+s2], $0x80, $0x38  }
0x1d: {  	s7 =	sand.u32 $0x1FFFFFF0, s10;
	s17 =	spop (v2sf);
	(v2sf) =	vpush v0, $0x9  }
0x1e: {  	s8 =	simm.s32 $0x880;
	s7 =	sadd.s32 s6, s7  }
0x1f: {  	[tilespmem:s8], [sflag:$0x1] =	stream.linear.gather [hbm4b:s7+s2], $0x80, $0x38;
	[tilespmem:$0x1480] =	vst v63  }
0x20: {  	s7 =	sand.u32 $0x1FFFFFF0, s11  }
0x21: {  	s12 =	simm.s32 $0x900;
	s7 =	sadd.s32 s6, s7;
	s19 =	spop (v2sf);
	(v2sf) =	vpush v0, $0xA  }
0x22: {  	[tilespmem:s12], [sflag:$0x1] =	stream.linear.gather [hbm4b:s7+s2], $0x80, $0x38;
	[tilespmem:$0x1480] =	vst v63  }
0x23: {  	s7 =	sand.u32 $0x1FFFFFF0, s13  }
0x24: {  	s14 =	simm.s32 $0x980;
	s7 =	sadd.s32 s6, s7;
	s21 =	spop (v2sf);
	(v2sf) =	vpush v0, $0xB  }
0x25: {  	[tilespmem:s14], [sflag:$0x1] =	stream.linear.gather [hbm4b:s7+s2], $0x80, $0x38;
	[tilespmem:$0x1480] =	vst v63  }
0x26: {  	s7 =	sand.u32 $0x1FFFFFF0, s15  }
0x27: {  	s16 =	simm.s32 $0xA00;
	s7 =	sadd.s32 s6, s7  }
0x28: {  	[tilespmem:s16], [sflag:$0x1] =	stream.linear.gather [hbm4b:s7+s2], $0x80, $0x38;
	[tilespmem:$0x1480] =	vst v63  }
0x29: {  	s7 =	sand.u32 $0x1FFFFFF0, s17  }
0x2a: {  	s18 =	simm.s32 $0xA80;
	s7 =	sadd.s32 s6, s7;
	s23 =	spop (v2sf);
	(v2sf) =	vpush v0, $0xC  }
0x2b: {  	[tilespmem:s18], [sflag:$0x1] =	stream.linear.gather [hbm4b:s7+s2], $0x80, $0x38;
	[tilespmem:$0x1480] =	vst v63  }
0x2c: {  	s7 =	sand.u32 $0x1FFFFFF0, s19;
	s25 =	spop (v2sf);
	(v2sf) =	vpush v0, $0xD  }
0x2d: {  	s20 =	simm.s32 $0xB00;
	s7 =	sadd.s32 s6, s7  }
0x2e: {  	[tilespmem:s20], [sflag:$0x1] =	stream.linear.gather [hbm4b:s7+s2], $0x80, $0x38;
	[tilespmem:$0x1480] =	vst v63  }
0x2f: {  	s7 =	sand.u32 $0x1FFFFFF0, s21  }
0x30: {  	s22 =	simm.s32 $0xB80;
	s7 =	sadd.s32 s6, s7;
	s28 =	spop (v2sf);
	(v2sf) =	vpush v0, $0xE  }
0x31: {  	[tilespmem:s22], [sflag:$0x1] =	stream.linear.gather [hbm4b:s7+s2], $0x80, $0x38;
	[tilespmem:$0x1480] =	vst v63  }
0x32: {  	s7 =	sand.u32 $0x1FFFFFF0, s23  }
0x33: {  	s24 =	simm.s32 $0xC00;
	s7 =	sadd.s32 s6, s7;
	s30 =	spop (v2sf);
	(v2sf) =	vpush v0, $0xF  }
0x34: {  	[tilespmem:s24], [sflag:$0x1] =	stream.linear.gather [hbm4b:s7+s2], $0x80, $0x38;
	[tilespmem:$0x1480] =	vst v63  }
0x35: {  	s7 =	sand.u32 $0x1FFFFFF0, s25  }
0x36: {  	s26 =	simm.s32 $0xC80;
	s7 =	sadd.s32 s6, s7  }
0x37: {  	[tilespmem:s26], [sflag:$0x1] =	stream.linear.gather [hbm4b:s7+s2], $0x80, $0x38;
	[tilespmem:$0x1480] =	vst v63  }
0x38: {  	v27 =	vshll.u32 v1, $0x4;
	s7 =	sand.u32 $0x1FFFFFF0, s28  }
0x39: {  	s29 =	simm.s32 $0xD00;
	s7 =	sadd.s32 s6, s7;
	s8 =	spop (v2sf);
	(v2sf) =	vpush v27, $0xC  }
0x3a: {  	[tilespmem:s29], [sflag:$0x1] =	stream.linear.gather [hbm4b:s7+s2], $0x80, $0x38;
	[tilespmem:$0x1480] =	vst v63  }
0x3b: {  	s7 =	sand.u32 $0x1FFFFFF0, s30;
	s10 =	spop (v2sf);
	(v2sf) =	vpush v27, $0xD  }
0x3c: {  	s31 =	simm.s32 $0xD80;
	s7 =	sadd.s32 s6, s7  }
0x3d: {  	[tilespmem:s31], [sflag:$0x1] =	stream.linear.gather [hbm4b:s7+s2], $0x80, $0x38;
	[tilespmem:$0x1480] =	vst v63  }
0x3e: {  	s7 =	sand.u32 $0x1FFFFFF0, s8  }
0x3f: {  	s9 =	simm.s32 $0xE00;
	s7 =	sadd.s32 s6, s7;
	s12 =	spop (v2sf)  }
0x40: {  	(v2sf) =	vpush v27, $0xE;
	[tilespmem:s9], [sflag:$0x1] =	stream.linear.gather [hbm4b:s7+s2], $0x80, $0x38;
	[tilespmem:$0x1480] =	vst v63  }
0x41: {  	s7 =	sand.u32 $0x1FFFFFF0, s10  }
0x42: {  	s11 =	simm.s32 $0xE80;
	s14 =	spop (v2sf);
	s7 =	sadd.s32 s6, s7  }
0x43: {  	(v2sf) =	vpush v27, $0xF;
	[tilespmem:s11], [sflag:$0x1] =	stream.linear.gather [hbm4b:s7+s2], $0x80, $0x38;
	[tilespmem:$0x1480] =	vst v63  }
0x44: {  	s7 =	sand.u32 $0x1FFFFFF0, s12  }
0x45: {  	s13 =	simm.s32 $0xF00;
	s7 =	sadd.s32 s6, s7  }
0x46: {  	[tilespmem:s13], [sflag:$0x1] =	stream.linear.gather [hbm4b:s7+s2], $0x80, $0x38;
	[tilespmem:$0x1480] =	vst v63  }
0x47: {  	v28 =	vshll.u32 v2, $0x4;
	s7 =	sand.u32 $0x1FFFFFF0, s14  }
0x48: {  	s15 =	simm.s32 $0xF80;
	s7 =	sadd.s32 s6, s7;
	s16 =	spop (v2sf);
	(v2sf) =	vpush v28, $0x0  }
0x49: {  	[tilespmem:s15], [sflag:$0x1] =	stream.linear.gather [hbm4b:s7+s2], $0x80, $0x38;
	[tilespmem:$0x1480] =	vst v63  }
0x4a: {  	s18 =	spop (v2sf);
	(v2sf) =	vpush v28, $0x1  }
0x4b: {  	s7 =	sand.u32 $0x1FFFFFF0, s16  }
0x4c: {  	s17 =	simm.s32 $0x1000;
	s7 =	sadd.s32 s6, s7  }
0x4d: {  	[tilespmem:s17], [sflag:$0x1] =	stream.linear.gather [hbm4b:s7+s2], $0x80, $0x38;
	[tilespmem:$0x1480] =	vst v63  }
0x4e: {  	s7 =	sand.u32 $0x1FFFFFF0, s18  }
0x4f: {  	s19 =	simm.s32 $0x1080;
	s20 =	spop (v2sf);
	s7 =	sadd.s32 s6, s7  }
0x50: {  	[tilespmem:s19], [sflag:$0x1] =	stream.linear.gather [hbm4b:s7+s2], $0x80, $0x38;
	[tilespmem:$0x1480] =	vst v63  }
0x51: {  	s7 =	sand.u32 $0x1FFFFFF0, s20  }
0x52: {  	vm8 =	vcmask $0x300;
	v29 =	vimm.s32 $0x689;
	s21 =	simm.s32 $0x1100;
	s22 =	spop (v2sf);
	s7 =	sadd.s32 s6, s7  }
0x53: {  	vm7 =	vcmask $0x704;
	v0 =	vsel vm8, $0x680, v29;
	[tilespmem:s21], [sflag:$0x1] =	stream.linear.gather [hbm4b:s7+s2], $0x80, $0x38;
	[tilespmem:$0x1480] =	vst v63  }
0x54: {  	vm6 =	vcmask $0xB08;
	v0 =	vsel vm7, $0x681, v0;
	s7 =	sand.u32 $0x1FFFFFF0, s22  }
0x55: {  	vm5 =	vcmask $0xF0C;
	s23 =	simm.s32 $0x1180;
	v0 =	vsel vm6, $0x682, v0;
	s7 =	sadd.s32 s6, s7  }
0x56: {  	vm4 =	vcmask $0x1310;
	v0 =	vsel vm5, $0x683, v0;
	[tilespmem:s23], [sflag:$0x1] =	stream.linear.gather [hbm4b:s7+s2], $0x80, $0x38;
	[tilespmem:$0x1480] =	vst v63  }
0x57: {  	vm3 =	vcmask $0x1714;
	v0 =	vsel vm4, $0x684, v0;
	s24 =	spop (v2sf)  }
0x58: {  	vm0 =	vcmask $0x1B18;
	v0 =	vsel vm3, $0x685, v0;
	s7 =	sand.u32 $0x1FFFFFF0, s24  }
0x59: {  	vm1 =	vcmask $0x1F1C;
	v30 =	vor.u32 $0x600, v6;
	s25 =	simm.s32 $0x1200;
	v0 =	vsel vm0, $0x686, v0;
	s26 =	spop (v2sf);
	s7 =	sadd.s32 s6, s7  }
0x5a: {  	vm2 =	vcmask $0x2320;
	v31 =	vadd.s32 $0x604, v6;
	v0 =	vsel vm1, $0x687, v0;
	[tilespmem:s25], [sflag:$0x1] =	stream.linear.gather [hbm4b:s7+s2], $0x80, $0x38;
	[tilespmem:$0x1480] =	vst v63  }
0x5b: {  	v0 =	vsel vm2, $0x688, v0;
	s7 =	sand.u32 $0x1FFFFFF0, s26  }
0x5c: {  	v4 =	vor.u32 $0x680, v6;
	s28 =	simm.s32 $0x1280;
	s6 =	sadd.s32 s6, s7  }
0x5d: {  	[tilespmem:s28], [sflag:$0x1] =	stream.linear.gather [hbm4b:s6+s2], $0x80, $0x38;
	[tilespmem:$0x1480] =	vst v63  }
0x5e: {  	v3 =	vld.idx.msk [tilespmem:v30+s2+$0x0], $0xffff  }
0x5f: {  	v2 =	vld.idx.msk [tilespmem:v31+s2+$0x0], $0xffff  }
0x60: {  	s29 =	simm.s32 $0x1;
	v0 =	vld.idx.msk [tilespmem:v0+s2+$0x0], $0xffff  }
0x61: {  	v1 =	vld.idx.msk [tilespmem:v4+s2+$0x0], $0xffff;
	_ =	swait.ge [sflag:s29], $0x80  }
0x62: {  	[sflag:s29] =	ssyncset.done $0x0  }
0x63: {  	[sflag:s29] =	ssyncadd.s32 $0xFFFFFF80  }
0x64: {  	_ =	swait.ge [sflag:s29], $0x80  }
0x65: {  	[sflag:s29] =	ssyncset.done $0x0  }
0x66: {  	[sflag:s29] =	ssyncadd.s32 $0xFFFFFF80  }
0x67: {  	_ =	swait.ge [sflag:s29], $0x80  }
0x68: {  	[sflag:s29] =	ssyncset.done $0x0  }
0x69: {  	[sflag:s29] =	ssyncadd.s32 $0xFFFFFF80  }
0x6a: {  	_ =	swait.ge [sflag:s29], $0x80  }
0x6b: {  	[sflag:s29] =	ssyncset.done $0x0  }
0x6c: {  	[sflag:s29] =	ssyncadd.s32 $0xFFFFFF80  }
0x6d: {  	_ =	swait.ge [sflag:s29], $0x80  }
0x6e: {  	[sflag:s29] =	ssyncset.done $0x0  }
0x6f: {  	[sflag:s29] =	ssyncadd.s32 $0xFFFFFF80  }
0x70: {  	_ =	swait.ge [sflag:s29], $0x80  }
0x71: {  	[sflag:s29] =	ssyncset.done $0x0  }
0x72: {  	[sflag:s29] =	ssyncadd.s32 $0xFFFFFF80  }
0x73: {  	_ =	swait.ge [sflag:s29], $0x80  }
0x74: {  	[sflag:s29] =	ssyncset.done $0x0  }
0x75: {  	[sflag:s29] =	ssyncadd.s32 $0xFFFFFF80  }
0x76: {  	_ =	swait.ge [sflag:s29], $0x80  }
0x77: {  	[sflag:s29] =	ssyncset.done $0x0  }
0x78: {  	[sflag:s29] =	ssyncadd.s32 $0xFFFFFF80  }
0x79: {  	_ =	swait.ge [sflag:s29], $0x80  }
0x7a: {  	[sflag:s29] =	ssyncset.done $0x0  }
0x7b: {  	[sflag:s29] =	ssyncadd.s32 $0xFFFFFF80  }
0x7c: {  	_ =	swait.ge [sflag:s29], $0x80  }
0x7d: {  	[sflag:s29] =	ssyncset.done $0x0  }
0x7e: {  	[sflag:s29] =	ssyncadd.s32 $0xFFFFFF80  }
0x7f: {  	_ =	swait.ge [sflag:s29], $0x80  }
0x80: {  	[sflag:s29] =	ssyncset.done $0x0  }
0x81: {  	[sflag:s29] =	ssyncadd.s32 $0xFFFFFF80  }
0x82: {  	_ =	swait.ge [sflag:s29], $0x80  }
0x83: {  	[sflag:s29] =	ssyncset.done $0x0  }
0x84: {  	[sflag:s29] =	ssyncadd.s32 $0xFFFFFF80  }
0x85: {  	_ =	swait.ge [sflag:s29], $0x80  }
0x86: {  	[sflag:s29] =	ssyncset.done $0x0  }
0x87: {  	[sflag:s29] =	ssyncadd.s32 $0xFFFFFF80  }
0x88: {  	_ =	swait.ge [sflag:s29], $0x80  }
0x89: {  	[sflag:s29] =	ssyncset.done $0x0  }
0x8a: {  	v32 =	vimm.s32 $0x580;
	v5 =	vimm.s32 $0x480;
	[sflag:s29] =	ssyncadd.s32 $0xFFFFFF80  }
0x8b: {  	v10 =	vimm.s32 $0x980;
	v39 =	vimm.s32 $0x581;
	v15 =	vimm.s32 $0x481;
	_ =	swait.ge [sflag:s29], $0x80  }
0x8c: {  	v41 =	vimm.s32 $0x981;
	v16 =	vimm.s32 $0x582;
	v17 =	vimm.s32 $0x482;
	[sflag:s29] =	ssyncset.done $0x0  }
0x8d: {  	v18 =	vimm.s32 $0x982;
	v50 =	vimm.s32 $0x583;
	v55 =	vimm.s32 $0x483;
	[sflag:s29] =	ssyncadd.s32 $0xFFFFFF80  }
0x8e: {  	v58 =	vimm.s32 $0x983;
	v59 =	vimm.s32 $0x584;
	v60 =	vimm.s32 $0x484;
	_ =	swait.ge [sflag:s29], $0x80  }
0x8f: {  	v26 =	vimm.s32 $0x984;
	v5 =	vsel vm8, $0x0, v5;
	v7 =	vor.u32 $0xA00, v6;
	[sflag:s29] =	ssyncset.done $0x0  }
0x90: {  	v34 =	vor.u32 $0xA80, v6;
	v36 =	vsel vm8, $0x500, v10;
	v40 =	vsel vm8, $0x1, v15;
	[sflag:s29] =	ssyncadd.s32 $0xFFFFFF80  }
0x91: {  	v15 =	vsel vm8, $0x501, v41;
	v16 =	vsel vm8, $0x102, v16;
	v17 =	vsel vm8, $0x2, v17;
	_ =	swait.ge [sflag:s29], $0x80  }
0x92: {  	v18 =	vsel vm8, $0x502, v18;
	v52 =	vsel vm8, $0x103, v50;
	v41 =	vimm.s32 $0x586;
	[sflag:s29] =	ssyncset.done $0x0  }
0x93: {  	v5 =	vsel vm7, $0x80, v5;
	v15 =	vsel vm7, $0x581, v15;
	v16 =	vsel vm7, $0x182, v16;
	[sflag:s29] =	ssyncadd.s32 $0xFFFFFF80  }
0x94: {  	v17 =	vsel vm7, $0x82, v17;
	v18 =	vsel vm7, $0x582, v18;
	v4 =	vsel vm8, $0x100, v32;
	_ =	swait.ge [sflag:s29], $0x80  }
0x95: {  	v53 =	vsel vm7, $0x183, v52;
	v5 =	vsel vm6, $0x100, v5;
	v4 =	vsel vm7, $0x180, v4;
	[sflag:s29] =	ssyncset.done $0x0  }
0x96: {  	v15 =	vsel vm6, $0x601, v15;
	v16 =	vsel vm6, $0x202, v16;
	v4 =	vsel vm6, $0x200, v4;
	[sflag:s29] =	ssyncadd.s32 $0xFFFFFF80  }
0x97: {  	v43 =	vsel vm6, $0x102, v17;
	v18 =	vsel vm6, $0x602, v18;
	v4 =	vsel vm5, $0x280, v4;
	_ =	swait.ge [sflag:s29], $0x80  }
0x98: {  	v33 =	vsel vm5, $0x180, v5;
	v15 =	vsel vm5, $0x681, v15;
	v4 =	vsel vm4, $0x300, v4;
	[sflag:s29] =	ssyncset.done $0x0  }
0x99: {  	v16 =	vsel vm5, $0x282, v16;
	v45 =	vsel vm5, $0x682, v18;
	v4 =	vsel vm3, $0x380, v4;
	[sflag:s29] =	ssyncadd.s32 $0xFFFFFF80  }
0x9a: {  	v15 =	vsel vm4, $0x701, v15;
	v16 =	vsel vm4, $0x302, v16;
	v4 =	vsel vm0, $0x400, v4;
	_ =	swait.ge [sflag:s29], $0x80  }
0x9b: {  	v15 =	vsel vm3, $0x781, v15;
	v16 =	vsel vm3, $0x382, v16;
	v4 =	vsel vm1, $0x480, v4;
	[sflag:s29] =	ssyncset.done $0x0  }
0x9c: {  	v16 =	vsel vm0, $0x402, v16;
	v8 =	vsel vm2, $0x500, v4;
	v4 =	vsel vm4, $0x200, v33;
	[sflag:s29] =	ssyncadd.s32 $0xFFFFFF80  }
0x9d: {  	v15 =	vsel vm0, $0x801, v15;
	v16 =	vsel vm1, $0x482, v16;
	v9 =	vsel vm3, $0x280, v4;
	_ =	swait.ge [sflag:s29], $0x80  }
0x9e: {  	v42 =	vsel vm2, $0x502, v16;
	v35 =	vsel vm0, $0x300, v9;
	v9 =	vsel vm7, $0x580, v36;
	[sflag:s29] =	ssyncset.done $0x0  }
0x9f: {  	v16 =	vsel vm5, $0x182, v43;
	v38 =	vsel vm6, $0x600, v9;
	v9 =	vsel vm8, $0x101, v39;
	[sflag:s29] =	ssyncadd.s32 $0xFFFFFF80  }
0xa0: {  	v15 =	vsel vm1, $0x881, v15;
	v16 =	vsel vm4, $0x202, v16;
	v9 =	vsel vm7, $0x181, v9;
	_ =	swait.ge [sflag:s29], $0x80  }
0xa1: {  	v15 =	vsel vm2, $0x901, v15;
	v16 =	vsel vm3, $0x282, v16;
	v9 =	vsel vm6, $0x201, v9;
	[sflag:s29] =	ssyncset.done $0x0  }
0xa2: {  	v46 =	vsel vm4, $0x702, v45;
	v16 =	vsel vm0, $0x302, v16;
	v9 =	vsel vm5, $0x281, v9;
	[sflag:s29] =	ssyncadd.s32 $0xFFFFFF80  }
0xa3: {  	v45 =	vimm.s32 $0x986;
	v16 =	vsel vm1, $0x382, v16;
	v9 =	vsel vm4, $0x301, v9;
	v4 =	vld.idx.msk [tilespmem:v7+s5+$0x0], $0xffff  }
0xa4: {  	v16 =	vsel vm2, $0x402, v16;
	v14 =	vbroadcast v3, $0x0;
	v9 =	vsel vm3, $0x381, v9;
	v5 =	vld.idx.msk [tilespmem:v34+s5+$0x0], $0xffff  }
0xa5: {  	v20 =	vbroadcast v3, $0x1;
	v56 =	vbroadcast v3, $0x2;
	v9 =	vsel vm0, $0x401, v9  }
0xa6: {  	v21 =	vbroadcast v3, $0x3;
	v33 =	vimm.s32 $0x585;
	v9 =	vsel vm1, $0x481, v9;
	v15 =	vld.idx.msk [tilespmem:v15+s5+$0x0], $0xffff  }
0xa7: {  	v9 =	vsel vm2, $0x501, v9;
	v7 =	vsel vm1, $0x380, v35;
	v35 =	vsel vm8, $0x105, v33  }
0xa8: {  	v37 =	vsel vm2, $0x400, v7;
	v7 =	vsel vm5, $0x680, v38;
	v38 =	vimm.s32 $0x485  }
0xa9: {  	v7 =	vsel vm4, $0x700, v7;
	v12 =	vbroadcast v4, $0x0;
	v13 =	vbroadcast v5, $0x0  }
0xaa: {  	v39 =	vsel vm8, $0x5, v38;
	v44 =	vbroadcast v4, $0x1;
	v19 =	vbroadcast v5, $0x1  }
0xab: {  	v11 =	vsel vm3, $0x780, v7;
	v47 =	vbroadcast v4, $0x2;
	v48 =	vmul.f32 v15, v20  }
0xac: {  	v7 =	vadd.s32 $0xA04, v6;
	v54 =	vbroadcast v5, $0x2;
	v25 =	vbroadcast v4, $0x3  }
0xad: {  	v8 =	vld.idx.msk [tilespmem:v8+s2+$0x0], $0xffff;
	v6 =	vadd.s32 $0xA84, v6;
	v27 =	vbroadcast v5, $0x3;
	v32 =	vbroadcast v4, $0x4  }
0xae: {  	v9 =	vld.idx.msk [tilespmem:v9+s2+$0x0], $0xffff;
	v11 =	vsel vm0, $0x800, v11;
	v36 =	vbroadcast v5, $0x4;
	v43 =	vbroadcast v4, $0x5  }
0xaf: {  	v11 =	vsel vm1, $0x880, v11;
	v50 =	vbroadcast v4, $0x6;
	v52 =	vbroadcast v5, $0x6  }
0xb0: {  	v15 =	vsel vm6, $0x203, v53;
	v23 =	vbroadcast v5, $0x7;
	v38 =	vbroadcast v4, $0x9  }
0xb1: {  	v10 =	vld.idx.msk [tilespmem:v37+s5+$0x0], $0xffff;
	v11 =	vsel vm2, $0x900, v11;
	v15 =	vsel vm5, $0x283, v15;
	v37 =	vbroadcast v3, $0x4  }
0xb2: {  	v12 =	vmul.f32 v8, v12;
	v8 =	vmul.f32 v8, v13;
	v13 =	vsel vm7, $0x81, v40  }
0xb3: {  	v17 =	vmul.f32 v9, v44;
	v9 =	vmul.f32 v9, v19;
	v15 =	vsel vm4, $0x303, v15  }
0xb4: {  	v19 =	vsel vm8, $0x104, v59;
	v40 =	vimm.s32 $0x985;
	v59 =	vimm.s32 $0x987  }
0xb5: {  	v13 =	vsel vm6, $0x101, v13;
	v15 =	vsel vm3, $0x383, v15;
	v19 =	vsel vm7, $0x184, v19  }
0xb6: {  	v12 =	vadd.f32 $0.0e+00, v12;
	v13 =	vsel vm5, $0x181, v13;
	v8 =	vadd.f32 $0.0e+00, v8  }
0xb7: {  	v15 =	vsel vm0, $0x403, v15;
	v19 =	vsel vm6, $0x204, v19;
	v13 =	vsel vm4, $0x201, v13  }
0xb8: {  	v15 =	vsel vm1, $0x483, v15;
	v19 =	vsel vm5, $0x284, v19;
	v10 =	vmul.f32 v10, v14  }
0xb9: {  	v13 =	vsel vm3, $0x281, v13;
	v12 =	vadd.f32 v17, v12;
	v8 =	vadd.f32 v9, v8  }
0xba: {  	v9 =	vsel vm3, $0x782, v46;
	v17 =	vsel vm8, $0x3, v55;
	v15 =	vsel vm2, $0x503, v15  }
0xbb: {  	v19 =	vsel vm4, $0x304, v19;
	v46 =	vbroadcast v5, $0x5;
	v55 =	vimm.s32 $0x487  }
0xbc: {  	v13 =	vsel vm0, $0x301, v13;
	v9 =	vsel vm0, $0x802, v9;
	v57 =	vsel vm7, $0x83, v17  }
0xbd: {  	v51 =	vld.idx.msk [tilespmem:v16+s5+$0x0], $0xffff;
	v17 =	vsel vm8, $0x503, v58;
	v19 =	vsel vm3, $0x384, v19;
	v13 =	vsel vm1, $0x381, v13  }
0xbe: {  	v11 =	vld.idx.msk [tilespmem:v11+s5+$0x0], $0xffff;
	v10 =	vadd.f32 $0.0e+00, v10;
	v9 =	vsel vm1, $0x882, v9;
	v16 =	vsel vm6, $0x103, v57  }
0xbf: {  	v17 =	vsel vm7, $0x583, v17;
	v61 =	vsel vm0, $0x404, v19;
	v19 =	vsel vm8, $0x504, v26  }
0xc0: {  	v57 =	vsel vm8, $0x7, v55;
	v55 =	vimm.s32 $0x98B;
	v13 =	vsel vm2, $0x401, v13  }
0xc1: {  	v9 =	vsel vm2, $0x902, v9;
	v16 =	vsel vm5, $0x183, v16;
	v17 =	vsel vm6, $0x603, v17  }
0xc2: {  	v19 =	vsel vm7, $0x584, v19;
	v16 =	vsel vm4, $0x203, v16;
	v17 =	vsel vm5, $0x683, v17  }
0xc3: {  	v19 =	vsel vm6, $0x604, v19;
	v11 =	vmul.f32 v11, v14;
	v16 =	vsel vm3, $0x283, v16  }
0xc4: {  	v14 =	vld.idx.msk [tilespmem:v42+s2+$0x0], $0xffff;
	v17 =	vsel vm4, $0x703, v17;
	v29 =	vsel vm5, $0x684, v19;
	v42 =	vimm.s32 $0x486  }
0xc5: {  	v19 =	vsel vm8, $0x506, v45;
	v45 =	vimm.s32 $0x98A;
	v16 =	vsel vm0, $0x303, v16  }
0xc6: {  	v63 =	vld.idx.msk [tilespmem:v15+s2+$0x0], $0xffff;
	v17 =	vsel vm3, $0x783, v17;
	v30 =	vsel vm4, $0x704, v29;
	v19 =	vsel vm7, $0x586, v19  }
0xc7: {  	v29 =	vbroadcast v4, $0x8;
	v11 =	vadd.f32 $0.0e+00, v11;
	v16 =	vsel vm1, $0x383, v16  }
0xc8: {  	v17 =	vsel vm0, $0x803, v17;
	v19 =	vsel vm6, $0x606, v19;
	v16 =	vsel vm2, $0x403, v16  }
0xc9: {  	v13 =	vld.idx.msk [tilespmem:v13+s5+$0x0], $0xffff;
	v17 =	vsel vm1, $0x883, v17;
	v19 =	vsel vm5, $0x686, v19;
	v11 =	vadd.f32 v48, v11  }
0xca: {  	v9 =	vld.idx.msk [tilespmem:v9+s5+$0x0], $0xffff;
	v17 =	vsel vm2, $0x903, v17;
	v49 =	vmul.f32 v14, v47;
	v14 =	vmul.f32 v14, v54  }
0xcb: {  	v18 =	vmul.f32 v63, v25;
	v47 =	vbroadcast v3, $0x5;
	v25 =	vimm.s32 $0x988  }
0xcc: {  	v54 =	vbroadcast v3, $0x6;
	v26 =	vsel vm8, $0x508, v25;
	v25 =	vimm.s32 $0x58D  }
0xcd: {  	v12 =	vadd.f32 v49, v12;
	v8 =	vadd.f32 v14, v8;
	v14 =	vsel vm1, $0x484, v61  }
0xce: {  	v49 =	vsel vm4, $0x706, v19;
	v13 =	vmul.f32 v13, v20;
	v20 =	vsel vm8, $0x4, v60  }
0xcf: {  	v9 =	vmul.f32 v9, v56;
	v14 =	vsel vm2, $0x504, v14;
	v60 =	vimm.s32 $0x588  }
0xd0: {  	v20 =	vsel vm7, $0x84, v20;
	v12 =	vadd.f32 v18, v12;
	v18 =	vsel vm8, $0x108, v60  }
0xd1: {  	v16 =	vld.idx.msk [tilespmem:v16+s5+$0x0], $0xffff;
	v10 =	vadd.f32 v13, v10;
	v13 =	vmul.f32 v51, v56;
	v20 =	vsel vm6, $0x104, v20  }
0xd2: {  	v9 =	vadd.f32 v9, v11;
	v51 =	vimm.s32 $0x587;
	v18 =	vsel vm7, $0x188, v18  }
0xd3: {  	v17 =	vld.idx.msk [tilespmem:v17+s5+$0x0], $0xffff;
	v62 =	vsel vm5, $0x184, v20;
	v18 =	vsel vm6, $0x208, v18;
	v20 =	vimm.s32 $0x58C  }
0xd4: {  	v10 =	vadd.f32 v13, v10;
	v24 =	vsel vm4, $0x204, v62;
	v13 =	vmul.f32 v63, v27  }
0xd5: {  	v18 =	vsel vm5, $0x288, v18;
	v63 =	vimm.s32 $0x488;
	v15 =	vsel vm3, $0x284, v24  }
0xd6: {  	v28 =	vmul.f32 v16, v21;
	v62 =	vsel vm4, $0x308, v18;
	v18 =	vsel vm8, $0x8, v63  }
0xd7: {  	v24 =	vbroadcast v3, $0x7;
	v15 =	vsel vm0, $0x304, v15;
	v8 =	vadd.f32 v13, v8  }
0xd8: {  	v31 =	vmul.f32 v17, v21;
	v13 =	vsel vm3, $0x784, v30;
	v17 =	vsel vm8, $0x6, v42  }
0xd9: {  	v21 =	vbroadcast v4, $0x7;
	v18 =	vsel vm7, $0x88, v18;
	v30 =	vbroadcast v5, $0x8  }
0xda: {  	v42 =	vimm.s32 $0x48A;
	v15 =	vsel vm1, $0x384, v15;
	v10 =	vadd.f32 v28, v10  }
0xdb: {  	v14 =	vld.idx.msk [tilespmem:v14+s2+$0x0], $0xffff;
	v13 =	vsel vm0, $0x804, v13;
	v17 =	vsel vm7, $0x86, v17;
	v18 =	vsel vm6, $0x108, v18  }
0xdc: {  	v28 =	vimm.s32 $0x589;
	v15 =	vsel vm2, $0x404, v15;
	v9 =	vadd.f32 v31, v9  }
0xdd: {  	v34 =	vsel vm1, $0x884, v13;
	v13 =	vsel vm7, $0x185, v35;
	v17 =	vsel vm6, $0x106, v17  }
0xde: {  	v22 =	vsel vm5, $0x188, v18;
	v31 =	vimm.s32 $0x489;
	v18 =	vsel vm8, $0x50A, v45  }
0xdf: {  	v45 =	vimm.s32 $0x48E;
	v13 =	vsel vm6, $0x205, v13;
	v17 =	vsel vm5, $0x186, v17  }
0xe0: {  	v16 =	vmul.f32 v14, v32;
	v14 =	vmul.f32 v14, v36;
	v13 =	vsel vm5, $0x285, v13  }
0xe1: {  	v11 =	vsel vm2, $0x904, v34;
	v17 =	vsel vm4, $0x206, v17;
	v13 =	vsel vm4, $0x305, v13  }
0xe2: {  	v17 =	vsel vm3, $0x286, v17;
	v12 =	vadd.f32 v16, v12;
	v8 =	vadd.f32 v14, v8  }
0xe3: {  	v13 =	vsel vm3, $0x385, v13;
	v14 =	vsel vm7, $0x85, v39;
	v17 =	vsel vm0, $0x306, v17  }
0xe4: {  	v16 =	vsel vm8, $0x106, v41;
	v15 =	vld.idx.msk [tilespmem:v15+s5+$0x0], $0xffff;
	v13 =	vsel vm0, $0x405, v13;
	v17 =	vsel vm1, $0x386, v17  }
0xe5: {  	v14 =	vsel vm6, $0x105, v14;
	v13 =	vsel vm1, $0x485, v13;
	v17 =	vsel vm2, $0x406, v17  }
0xe6: {  	v16 =	vsel vm7, $0x186, v16;
	v14 =	vsel vm5, $0x185, v14;
	v13 =	vsel vm2, $0x505, v13  }
0xe7: {  	v34 =	vimm.s32 $0x989;
	v16 =	vsel vm6, $0x206, v16;
	v14 =	vsel vm4, $0x205, v14  }
0xe8: {  	v32 =	vbroadcast v3, $0x8;
	v11 =	vld.idx.msk [tilespmem:v11+s5+$0x0], $0xffff;
	v16 =	vsel vm5, $0x286, v16;
	v14 =	vsel vm3, $0x285, v14  }
0xe9: {  	v16 =	vsel vm4, $0x306, v16;
	v14 =	vsel vm0, $0x305, v14;
	v15 =	vmul.f32 v15, v37  }
0xea: {  	v36 =	vsel vm8, $0x509, v34;
	v16 =	vsel vm3, $0x386, v16;
	v14 =	vsel vm1, $0x385, v14;
	v17 =	vld.idx.msk [tilespmem:v17+s5+$0x0], $0xffff  }
0xeb: {  	v16 =	vsel vm0, $0x406, v16;
	v10 =	vadd.f32 v15, v10;
	v15 =	vsel vm8, $0x505, v40;
	v13 =	vld.idx.msk [tilespmem:v13+s2+$0x0], $0xffff  }
0xec: {  	v14 =	vsel vm2, $0x405, v14;
	v16 =	vsel vm1, $0x486, v16;
	v15 =	vsel vm7, $0x585, v15  }
0xed: {  	v11 =	vmul.f32 v11, v37;
	v16 =	vsel vm2, $0x506, v16;
	v15 =	vsel vm6, $0x605, v15  }
0xee: {  	v34 =	vbroadcast v3, $0xC;
	v37 =	vimm.s32 $0x58A;
	v15 =	vsel vm5, $0x685, v15  }
0xef: {  	v9 =	vadd.f32 v11, v9;
	v15 =	vsel vm4, $0x705, v15;
	v58 =	vmul.f32 v17, v54  }
0xf0: {  	v17 =	vsel vm8, $0x507, v59;
	v15 =	vsel vm3, $0x785, v15;
	v44 =	vmul.f32 v13, v43  }
0xf1: {  	v14 =	vld.idx.msk [tilespmem:v14+s5+$0x0], $0xffff;
	v13 =	vmul.f32 v13, v46;
	v17 =	vsel vm7, $0x587, v17;
	v15 =	vsel vm0, $0x805, v15  }
0xf2: {  	v16 =	vld.idx.msk [tilespmem:v16+s2+$0x0], $0xffff;
	v46 =	vbroadcast v3, $0x9;
	v17 =	vsel vm6, $0x607, v17;
	v15 =	vsel vm1, $0x885, v15  }
0xf3: {  	v48 =	vadd.f32 v44, v12;
	v8 =	vadd.f32 v13, v8;
	v12 =	vsel vm3, $0x786, v49  }
0xf4: {  	v17 =	vsel vm5, $0x687, v17;
	v44 =	vbroadcast v5, $0x9;
	v49 =	vbroadcast v4, $0xA  }
0xf5: {  	v15 =	vsel vm2, $0x905, v15;
	v12 =	vsel vm0, $0x806, v12;
	v17 =	vsel vm4, $0x707, v17  }
0xf6: {  	v14 =	vmul.f32 v14, v47;
	v12 =	vsel vm1, $0x886, v12;
	v17 =	vsel vm3, $0x787, v17  }
0xf7: {  	v13 =	vmul.f32 v16, v50;
	v12 =	vsel vm2, $0x906, v12;
	v53 =	vmul.f32 v16, v52  }
0xf8: {  	v61 =	vsel vm0, $0x807, v17;
	v10 =	vadd.f32 v14, v10;
	v14 =	vsel vm8, $0x107, v51  }
0xf9: {  	v17 =	vsel vm3, $0x388, v62;
	v16 =	vsel vm7, $0x588, v26;
	v14 =	vsel vm7, $0x187, v14  }
0xfa: {  	v17 =	vsel vm0, $0x408, v17;
	v27 =	vsel vm6, $0x608, v16;
	v15 =	vld.idx.msk [tilespmem:v15+s5+$0x0], $0xffff;
	v14 =	vsel vm6, $0x207, v14  }
0xfb: {  	v11 =	vadd.f32 v13, v48;
	v8 =	vadd.f32 v53, v8;
	v14 =	vsel vm5, $0x287, v14  }
0xfc: {  	v17 =	vsel vm1, $0x488, v17;
	v48 =	vimm.s32 $0x58B;
	v14 =	vsel vm4, $0x307, v14  }
0xfd: {  	v53 =	vbroadcast v5, $0xA;
	v17 =	vsel vm2, $0x508, v17;
	v56 =	vsel vm3, $0x387, v14  }
0xfe: {  	v10 =	vadd.f32 v58, v10;
	v12 =	vld.idx.msk [tilespmem:v12+s5+$0x0], $0xffff;
	v14 =	vsel vm7, $0x87, v57;
	v13 =	vsel vm0, $0x407, v56  }
0xff: {  	v14 =	vsel vm6, $0x107, v14;
	v56 =	vbroadcast v3, $0xA;
	v15 =	vmul.f32 v15, v47  }
0x100: {  	v13 =	vsel vm1, $0x487, v13;
	v14 =	vsel vm5, $0x187, v14;
	v47 =	vsel vm7, $0x58A, v18  }
0x101: {  	v18 =	vsel vm8, $0x10B, v48;
	v48 =	vimm.s32 $0x48F;
	v13 =	vsel vm2, $0x507, v13  }
0x102: {  	v14 =	vsel vm4, $0x207, v14;
	v18 =	vsel vm7, $0x18B, v18;
	v9 =	vadd.f32 v15, v9  }
0x103: {  	v17 =	vld.idx.msk [tilespmem:v17+s2+$0x0], $0xffff;
	v14 =	vsel vm3, $0x287, v14;
	v12 =	vmul.f32 v12, v54;
	v15 =	vsel vm1, $0x887, v61  }
0x104: {  	v18 =	vsel vm6, $0x20B, v18;
	v54 =	vimm.s32 $0x48B;
	v14 =	vsel vm0, $0x307, v14  }
0x105: {  	v15 =	vsel vm2, $0x907, v15;
	v18 =	vsel vm5, $0x28B, v18;
	v14 =	vsel vm1, $0x387, v14  }
0x106: {  	v9 =	vadd.f32 v12, v9;
	v12 =	vsel vm4, $0x208, v22;
	v18 =	vsel vm4, $0x30B, v18  }
0x107: {  	v22 =	vimm.s32 $0x48C;
	v14 =	vsel vm2, $0x407, v14;
	v12 =	vsel vm3, $0x288, v12  }
0x108: {  	v16 =	vmul.f32 v17, v29;
	v51 =	vsel vm3, $0x38B, v18;
	v18 =	vsel vm8, $0x50B, v55;
	v13 =	vld.idx.msk [tilespmem:v13+s2+$0x0], $0xffff  }
0x109: {  	v55 =	vbroadcast v3, $0xE;
	v58 =	vsel vm7, $0x58B, v18;
	v18 =	vsel vm8, $0xC, v22  }
0x10a: {  	v12 =	vsel vm0, $0x308, v12;
	v22 =	vimm.s32 $0x98F;
	v18 =	vsel vm7, $0x8C, v18  }
0x10b: {  	v12 =	vsel vm1, $0x388, v12;
	v22 =	vsel vm8, $0x50F, v22;
	v18 =	vsel vm6, $0x10C, v18  }
0x10c: {  	v15 =	vld.idx.msk [tilespmem:v15+s5+$0x0], $0xffff;
	v12 =	vsel vm2, $0x408, v12;
	v22 =	vsel vm7, $0x58F, v22;
	v18 =	vsel vm5, $0x18C, v18  }
0x10d: {  	v22 =	vsel vm6, $0x60F, v22;
	v18 =	vsel vm4, $0x20C, v18;
	v19 =	vmul.f32 v13, v21  }
0x10e: {  	v22 =	vsel vm5, $0x68F, v22;
	v13 =	vmul.f32 v13, v23;
	v21 =	vbroadcast v4, $0xB  }
0x10f: {  	v23 =	vimm.s32 $0x98C;
	v18 =	vsel vm3, $0x28C, v18;
	v22 =	vsel vm4, $0x70F, v22  }
0x110: {  	v14 =	vld.idx.msk [tilespmem:v14+s5+$0x0], $0xffff;
	v18 =	vsel vm0, $0x30C, v18;
	v22 =	vsel vm3, $0x78F, v22;
	v11 =	vadd.f32 v19, v11  }
0x111: {  	v8 =	vadd.f32 v13, v8;
	v13 =	vsel vm5, $0x688, v27;
	v15 =	vmul.f32 v15, v24  }
0x112: {  	v19 =	vsel vm8, $0x50C, v23;
	v18 =	vsel vm1, $0x38C, v18;
	v27 =	vbroadcast v3, $0xB  }
0x113: {  	v23 =	vimm.s32 $0x590;
	v22 =	vsel vm0, $0x80F, v22;
	v13 =	vsel vm4, $0x708, v13  }
0x114: {  	v19 =	vsel vm7, $0x58C, v19;
	v18 =	vsel vm2, $0x40C, v18;
	v23 =	vsel vm8, $0x110, v23  }
0x115: {  	v22 =	vsel vm1, $0x88F, v22;
	v14 =	vmul.f32 v14, v24;
	v13 =	vsel vm3, $0x788, v13  }
0x116: {  	v9 =	vadd.f32 v15, v9;
	v11 =	vadd.f32 v16, v11;
	v16 =	vsel vm8, $0x9, v31  }
0x117: {  	v15 =	vmul.f32 v17, v30;
	v17 =	vsel vm8, $0xA, v42;
	v24 =	vbroadcast v5, $0xB  }
0x118: {  	v19 =	vsel vm6, $0x60C, v19;
	v30 =	vbroadcast v4, $0xC;
	v31 =	vbroadcast v5, $0xC  }
0x119: {  	v42 =	vbroadcast v4, $0xD;
	v23 =	vsel vm7, $0x190, v23;
	v13 =	vsel vm0, $0x808, v13  }
0x11a: {  	v12 =	vld.idx.msk [tilespmem:v12+s5+$0x0], $0xffff;
	v16 =	vsel vm7, $0x89, v16;
	v43 =	vsel vm7, $0x8A, v17;
	v17 =	vsel vm6, $0x60A, v47  }
0x11b: {  	v19 =	vsel vm5, $0x68C, v19;
	v47 =	vimm.s32 $0x58F;
	v23 =	vsel vm6, $0x210, v23  }
0x11c: {  	v10 =	vadd.f32 v14, v10;
	v14 =	vsel vm8, $0x109, v28;
	v13 =	vsel vm1, $0x888, v13  }
0x11d: {  	v16 =	vsel vm6, $0x109, v16;
	v8 =	vadd.f32 v15, v8;
	v15 =	vsel vm7, $0x589, v36  }
0x11e: {  	v17 =	vsel vm5, $0x68A, v17;
	v19 =	vsel vm4, $0x70C, v19;
	v23 =	vsel vm5, $0x290, v23  }
0x11f: {  	v14 =	vsel vm7, $0x189, v14;
	v13 =	vsel vm2, $0x908, v13;
	v12 =	vmul.f32 v12, v32  }
0x120: {  	v33 =	vsel vm5, $0x189, v16;
	v15 =	vsel vm6, $0x609, v15;
	v16 =	vsel vm8, $0x10A, v37  }
0x121: {  	v17 =	vsel vm4, $0x70A, v17;
	v19 =	vsel vm3, $0x78C, v19;
	v37 =	vimm.s32 $0x98D  }
0x122: {  	v23 =	vsel vm4, $0x310, v23;
	v14 =	vsel vm6, $0x209, v14;
	v35 =	vsel vm4, $0x209, v33  }
0x123: {  	v15 =	vsel vm5, $0x689, v15;
	v16 =	vsel vm7, $0x18A, v16;
	v17 =	vsel vm3, $0x78A, v17  }
0x124: {  	v19 =	vsel vm0, $0x80C, v19;
	v29 =	vld.idx.msk [tilespmem:v18+s5+$0x0], $0xffff;
	v18 =	vsel vm8, $0xE, v45;
	v14 =	vsel vm5, $0x289, v14  }
0x125: {  	v10 =	vadd.f32 v12, v10;
	v12 =	vsel vm3, $0x289, v35;
	v15 =	vsel vm4, $0x709, v15  }
0x126: {  	v16 =	vsel vm6, $0x20A, v16;
	v17 =	vsel vm0, $0x80A, v17;
	v18 =	vsel vm7, $0x8E, v18  }
0x127: {  	v14 =	vsel vm4, $0x309, v14;
	v12 =	vsel vm0, $0x309, v12;
	v15 =	vsel vm3, $0x789, v15  }
0x128: {  	v16 =	vsel vm5, $0x28A, v16;
	v17 =	vsel vm1, $0x88A, v17;
	v18 =	vsel vm6, $0x10E, v18  }
0x129: {  	v14 =	vsel vm3, $0x389, v14;
	v12 =	vsel vm1, $0x389, v12;
	v16 =	vsel vm4, $0x30A, v16  }
0x12a: {  	v17 =	vsel vm2, $0x90A, v17;
	v14 =	vsel vm0, $0x409, v14;
	v12 =	vsel vm2, $0x409, v12  }
0x12b: {  	v40 =	vsel vm3, $0x38A, v16;
	v16 =	vsel vm6, $0x10A, v43;
	v14 =	vsel vm1, $0x489, v14  }
0x12c: {  	v7 =	vld.idx.msk [tilespmem:v7+s5+$0x0], $0xffff;
	v15 =	vsel vm0, $0x809, v15;
	v16 =	vsel vm5, $0x18A, v16;
	v14 =	vsel vm2, $0x509, v14  }
0x12d: {  	v39 =	vsel vm1, $0x889, v15;
	v15 =	vsel vm0, $0x40A, v40;
	v16 =	vsel vm4, $0x20A, v16  }
0x12e: {  	v18 =	vsel vm5, $0x18E, v18;
	v13 =	vld.idx.msk [tilespmem:v13+s5+$0x0], $0xffff;
	v15 =	vsel vm1, $0x48A, v15;
	v16 =	vsel vm3, $0x28A, v16  }
0x12f: {  	v18 =	vsel vm4, $0x20E, v18;
	v15 =	vsel vm2, $0x50A, v15;
	v16 =	vsel vm0, $0x30A, v16;
	v17 =	vld.idx.msk [tilespmem:v17+s5+$0x0], $0xffff  }
0x130: {  	v23 =	vsel vm3, $0x390, v23;
	v18 =	vsel vm3, $0x28E, v18;
	v12 =	vld.idx.msk [tilespmem:v12+s5+$0x0], $0xffff;
	v16 =	vsel vm1, $0x38A, v16  }
0x131: {  	v45 =	vbroadcast v7, $0xD;
	v18 =	vsel vm0, $0x30E, v18;
	v16 =	vsel vm2, $0x40A, v16;
	v14 =	vld.idx.msk [tilespmem:v14+s2+$0x0], $0xffff  }
0x132: {  	v19 =	vsel vm1, $0x88C, v19;
	v35 =	vimm.s32 $0x48D;
	v18 =	vsel vm1, $0x38E, v18  }
0x133: {  	v19 =	vsel vm2, $0x90C, v19;
	v18 =	vsel vm2, $0x40E, v18;
	v13 =	vmul.f32 v13, v32  }
0x134: {  	v36 =	vsel vm8, $0xD, v35;
	v35 =	vimm.s32 $0x591;
	v43 =	vbroadcast v5, $0xD;
	v15 =	vld.idx.msk [tilespmem:v15+s2+$0x0], $0xffff  }
0x135: {  	v9 =	vadd.f32 v13, v9;
	v13 =	vsel vm2, $0x909, v39;
	v12 =	vmul.f32 v12, v46  }
0x136: {  	v63 =	vmul.f32 v17, v56;
	v52 =	vld.idx.msk [tilespmem:v16+s5+$0x0], $0xffff;
	v16 =	vsel vm8, $0xB, v54;
	v41 =	vmul.f32 v14, v38  }
0x137: {  	v14 =	vmul.f32 v14, v44;
	v10 =	vadd.f32 v12, v10;
	v12 =	vsel vm0, $0x40B, v51  }
0x138: {  	v18 =	vld.idx.msk [tilespmem:v18+s5+$0x0], $0xffff;
	v16 =	vsel vm7, $0x8B, v16;
	v44 =	vbroadcast v3, $0xD;
	v51 =	vsel vm0, $0x410, v23  }
0x139: {  	v50 =	vmul.f32 v15, v49;
	v12 =	vsel vm1, $0x48B, v12;
	v57 =	vsel vm6, $0x10B, v16  }
0x13a: {  	v16 =	vsel vm6, $0x60B, v58;
	v11 =	vadd.f32 v41, v11;
	v8 =	vadd.f32 v14, v8  }
0x13b: {  	v12 =	vsel vm2, $0x50B, v12;
	v14 =	vmul.f32 v15, v53;
	v15 =	vsel vm5, $0x18B, v57  }
0x13c: {  	v13 =	vld.idx.msk [tilespmem:v13+s5+$0x0], $0xffff;
	v60 =	vsel vm5, $0x68B, v16;
	v16 =	vsel vm8, $0x10C, v20;
	v53 =	vbroadcast v5, $0xE  }
0x13d: {  	v41 =	vimm.s32 $0x58E;
	v58 =	vmul.f32 v18, v55;
	v5 =	vbroadcast v5, $0xF  }
0x13e: {  	v59 =	vsel vm4, $0x20B, v15;
	v62 =	vsel vm4, $0x70B, v60;
	v16 =	vsel vm7, $0x18C, v16  }
0x13f: {  	v15 =	vmul.f32 v29, v34;
	v11 =	vadd.f32 v50, v11;
	v8 =	vadd.f32 v14, v8  }
0x140: {  	v61 =	vsel vm3, $0x28B, v59;
	v14 =	vsel vm3, $0x78B, v62;
	v16 =	vsel vm6, $0x20C, v16  }
0x141: {  	v50 =	vsel vm2, $0x90F, v22;
	v22 =	vsel vm1, $0x490, v51;
	v13 =	vmul.f32 v13, v46  }
0x142: {  	v14 =	vsel vm0, $0x80B, v14;
	v16 =	vsel vm5, $0x28C, v16;
	v46 =	vimm.s32 $0x98E  }
0x143: {  	v22 =	vsel vm2, $0x510, v22;
	v14 =	vsel vm1, $0x88B, v14;
	v16 =	vsel vm4, $0x30C, v16  }
0x144: {  	v32 =	vld.idx.msk [tilespmem:v19+s5+$0x0], $0xffff;
	v19 =	vsel vm8, $0x50E, v46;
	v9 =	vadd.f32 v13, v9;
	v13 =	vmul.f32 v52, v56  }
0x145: {  	v14 =	vsel vm2, $0x90B, v14;
	v16 =	vsel vm3, $0x38C, v16;
	v19 =	vsel vm7, $0x58E, v19  }
0x146: {  	v12 =	vld.idx.msk [tilespmem:v12+s2+$0x0], $0xffff;
	v52 =	vbroadcast v4, $0xE;
	v4 =	vbroadcast v4, $0xF;
	v16 =	vsel vm0, $0x40C, v16  }
0x147: {  	v19 =	vsel vm6, $0x60E, v19;
	v10 =	vadd.f32 v13, v10;
	v13 =	vsel vm0, $0x30B, v61  }
0x148: {  	v16 =	vsel vm1, $0x48C, v16;
	v9 =	vadd.f32 v63, v9;
	v19 =	vsel vm5, $0x68E, v19  }
0x149: {  	v61 =	vbroadcast v3, $0xF;
	v13 =	vsel vm1, $0x38B, v13;
	v19 =	vsel vm4, $0x70E, v19  }
0x14a: {  	v63 =	vld.idx.msk [tilespmem:v6+s5+$0x0], $0xffff;
	v16 =	vsel vm2, $0x50C, v16;
	v13 =	vsel vm2, $0x40B, v13;
	v19 =	vsel vm3, $0x78E, v19  }
0x14b: {  	v17 =	vmul.f32 v12, v21;
	v21 =	vsel vm8, $0x10D, v25;
	v19 =	vsel vm0, $0x80E, v19  }
0x14c: {  	v12 =	vmul.f32 v12, v24;
	v26 =	vsel vm7, $0x18D, v21;
	v19 =	vsel vm1, $0x88E, v19  }
0x14d: {  	v14 =	vld.idx.msk [tilespmem:v14+s5+$0x0], $0xffff;
	v21 =	vsel vm8, $0xF, v48;
	v20 =	vsel vm6, $0x20D, v26;
	v11 =	vadd.f32 v17, v11  }
0x14e: {  	v8 =	vadd.f32 v12, v8;
	v19 =	vsel vm2, $0x90E, v19;
	v21 =	vsel vm7, $0x8F, v21  }
0x14f: {  	v26 =	vimm.s32 $0x490;
	v46 =	vbroadcast v63, $0xD;
	v3 =	vbroadcast v63, $0xF  }
0x150: {  	v28 =	vsel vm5, $0x28D, v20;
	v20 =	vsel vm8, $0x10F, v47;
	v21 =	vsel vm6, $0x10F, v21  }
0x151: {  	v16 =	vld.idx.msk [tilespmem:v16+s2+$0x0], $0xffff;
	v12 =	vsel vm4, $0x30D, v28;
	v20 =	vsel vm7, $0x18F, v20;
	v21 =	vsel vm5, $0x18F, v21  }
0x152: {  	v14 =	vmul.f32 v14, v27;
	v12 =	vsel vm3, $0x38D, v12;
	v20 =	vsel vm6, $0x20F, v20  }
0x153: {  	v13 =	vld.idx.msk [tilespmem:v13+s5+$0x0], $0xffff;
	v21 =	vsel vm4, $0x20F, v21;
	v12 =	vsel vm0, $0x40D, v12;
	v20 =	vsel vm5, $0x28F, v20  }
0x154: {  	v21 =	vsel vm3, $0x28F, v21;
	v9 =	vadd.f32 v14, v9;
	v12 =	vsel vm1, $0x48D, v12  }
0x155: {  	v14 =	vsel vm7, $0x8D, v36;
	v20 =	vsel vm4, $0x30F, v20;
	v21 =	vsel vm0, $0x30F, v21  }
0x156: {  	v36 =	vimm.s32 $0x491;
	v33 =	vmul.f32 v16, v30;
	v16 =	vmul.f32 v16, v31  }
0x157: {  	v12 =	vsel vm2, $0x50D, v12;
	v14 =	vsel vm6, $0x10D, v14;
	v20 =	vsel vm3, $0x38F, v20  }
0x158: {  	v62 =	vld.idx.msk [tilespmem:v22+s2+$0x0], $0xffff;
	v21 =	vsel vm1, $0x38F, v21;
	v13 =	vmul.f32 v13, v27;
	v14 =	vsel vm5, $0x18D, v14  }
0x159: {  	v49 =	vld.idx.msk [tilespmem:v19+s5+$0x0], $0xffff;
	v20 =	vsel vm0, $0x40F, v20;
	v21 =	vsel vm2, $0x40F, v21;
	v27 =	vbroadcast v7, $0xC  }
0x15a: {  	v11 =	vadd.f32 v33, v11;
	v8 =	vadd.f32 v16, v8;
	v16 =	vsel vm8, $0x50D, v37  }
0x15b: {  	v39 =	vsel vm4, $0x20D, v14;
	v20 =	vsel vm1, $0x48F, v20;
	v33 =	vbroadcast v63, $0xC  }
0x15c: {  	v37 =	vimm.s32 $0x991;
	v10 =	vadd.f32 v13, v10;
	v13 =	vmul.f32 v32, v34  }
0x15d: {  	v38 =	vsel vm7, $0x58D, v16;
	v20 =	vsel vm2, $0x50F, v20;
	v31 =	vmul.f32 v62, v27  }
0x15e: {  	v32 =	vimm.s32 $0x990;
	v40 =	vsel vm6, $0x60D, v38;
	v60 =	vmul.f32 v49, v55  }
0x15f: {  	v34 =	vmul.f32 v62, v33;
	v38 =	vimm.s32 $0x592;
	v55 =	vbroadcast v63, $0xE  }
0x160: {  	v10 =	vadd.f32 v15, v10;
	v9 =	vadd.f32 v13, v9;
	v13 =	vsel vm3, $0x28D, v39  }
0x161: {  	v14 =	vsel vm5, $0x68D, v40;
	v15 =	vsel vm8, $0x10E, v41;
	v39 =	vimm.s32 $0x492  }
0x162: {  	v40 =	vimm.s32 $0x992;
	v41 =	vimm.s32 $0x593;
	v13 =	vsel vm0, $0x30D, v13  }
0x163: {  	v14 =	vsel vm4, $0x70D, v14;
	v15 =	vsel vm7, $0x18E, v15;
	v17 =	vsel vm8, $0x512, v40  }
0x164: {  	v12 =	vld.idx.msk [tilespmem:v12+s2+$0x0], $0xffff;
	v18 =	vsel vm8, $0x113, v41;
	v14 =	vsel vm3, $0x78D, v14;
	v13 =	vsel vm1, $0x38D, v13  }
0x165: {  	v15 =	vsel vm6, $0x20E, v15;
	v17 =	vsel vm7, $0x592, v17;
	v18 =	vsel vm7, $0x193, v18  }
0x166: {  	v14 =	vsel vm0, $0x80D, v14;
	v15 =	vsel vm5, $0x28E, v15;
	v13 =	vsel vm2, $0x40D, v13  }
0x167: {  	v17 =	vsel vm6, $0x612, v17;
	v18 =	vsel vm6, $0x213, v18;
	v14 =	vsel vm1, $0x88D, v14  }
0x168: {  	v15 =	vsel vm4, $0x30E, v15;
	v17 =	vsel vm5, $0x692, v17;
	v18 =	vsel vm5, $0x293, v18  }
0x169: {  	v59 =	vld.idx.msk [tilespmem:v50+s5+$0x0], $0xffff;
	v16 =	vmul.f32 v12, v42;
	v14 =	vsel vm2, $0x90D, v14;
	v15 =	vsel vm3, $0x38E, v15  }
0x16a: {  	v12 =	vmul.f32 v12, v43;
	v42 =	vimm.s32 $0x493;
	v43 =	vimm.s32 $0x993  }
0x16b: {  	v20 =	vld.idx.msk [tilespmem:v20+s2+$0x0], $0xffff;
	v17 =	vsel vm4, $0x712, v17;
	v18 =	vsel vm4, $0x313, v18;
	v15 =	vsel vm0, $0x40E, v15  }
0x16c: {  	v19 =	vsel vm8, $0x13, v42;
	v17 =	vsel vm3, $0x792, v17;
	v18 =	vsel vm3, $0x393, v18  }
0x16d: {  	v11 =	vadd.f32 v16, v11;
	v15 =	vsel vm1, $0x48E, v15;
	v8 =	vadd.f32 v12, v8  }
0x16e: {  	v12 =	vmul.f32 v59, v61;
	v16 =	vsel vm8, $0x12, v39;
	v19 =	vsel vm7, $0x93, v19  }
0x16f: {  	v17 =	vsel vm0, $0x812, v17;
	v18 =	vsel vm0, $0x413, v18;
	v15 =	vsel vm2, $0x50E, v15  }
0x170: {  	v4 =	vmul.f32 v20, v4;
	v24 =	vmul.f32 v20, v5;
	v20 =	vsel vm8, $0x513, v43  }
0x171: {  	v16 =	vsel vm7, $0x92, v16;
	v19 =	vsel vm6, $0x113, v19;
	v17 =	vsel vm1, $0x892, v17  }
0x172: {  	v13 =	vld.idx.msk [tilespmem:v13+s5+$0x0], $0xffff;
	v18 =	vsel vm1, $0x493, v18;
	v20 =	vsel vm7, $0x593, v20;
	v16 =	vsel vm6, $0x112, v16  }
0x173: {  	v19 =	vsel vm5, $0x193, v19;
	v17 =	vsel vm2, $0x912, v17;
	v18 =	vsel vm2, $0x513, v18;
	v14 =	vld.idx.msk [tilespmem:v14+s5+$0x0], $0xffff  }
0x174: {  	v20 =	vsel vm6, $0x613, v20;
	v16 =	vsel vm5, $0x192, v16;
	v19 =	vsel vm4, $0x213, v19  }
0x175: {  	v20 =	vsel vm5, $0x693, v20;
	v16 =	vsel vm4, $0x212, v16;
	v19 =	vsel vm3, $0x293, v19  }
0x176: {  	v20 =	vsel vm4, $0x713, v20;
	v16 =	vsel vm3, $0x292, v16;
	v19 =	vsel vm0, $0x313, v19;
	v15 =	vld.idx.msk [tilespmem:v15+s2+$0x0], $0xffff  }
0x177: {  	v13 =	vmul.f32 v13, v44;
	v16 =	vsel vm0, $0x312, v16;
	v19 =	vsel vm1, $0x393, v19  }
0x178: {  	v16 =	vsel vm1, $0x392, v16;
	v19 =	vsel vm2, $0x413, v19;
	v14 =	vmul.f32 v14, v44  }
0x179: {  	v10 =	vadd.f32 v13, v10;
	v13 =	vsel vm8, $0x11, v36;
	v16 =	vsel vm2, $0x412, v16  }
0x17a: {  	v13 =	vsel vm7, $0x91, v13;
	v9 =	vadd.f32 v14, v9;
	v14 =	vsel vm8, $0x511, v37  }
0x17b: {  	v13 =	vsel vm6, $0x111, v13;
	v54 =	vmul.f32 v15, v52;
	v56 =	vmul.f32 v15, v53  }
0x17c: {  	v15 =	vsel vm8, $0x112, v38;
	v14 =	vsel vm7, $0x591, v14;
	v13 =	vsel vm5, $0x191, v13  }
0x17d: {  	v22 =	vadd.f32 v60, v9;
	v15 =	vsel vm7, $0x192, v15;
	v14 =	vsel vm6, $0x611, v14  }
0x17e: {  	v13 =	vsel vm4, $0x211, v13;
	v11 =	vadd.f32 v54, v11;
	v15 =	vsel vm6, $0x212, v15  }
0x17f: {  	v14 =	vsel vm5, $0x691, v14;
	v13 =	vsel vm3, $0x291, v13;
	v29 =	vadd.f32 v12, v22  }
0x180: {  	v12 =	vsel vm8, $0x111, v35;
	v15 =	vsel vm5, $0x292, v15;
	v14 =	vsel vm4, $0x711, v14  }
0x181: {  	v13 =	vsel vm0, $0x311, v13;
	v23 =	vadd.f32 v4, v11;
	v11 =	vsel vm8, $0x10, v26  }
0x182: {  	v12 =	vsel vm7, $0x191, v12;
	v15 =	vsel vm4, $0x312, v15;
	v13 =	vsel vm1, $0x391, v13  }
0x183: {  	v14 =	vsel vm3, $0x791, v14;
	v28 =	vsel vm7, $0x90, v11;
	v11 =	vsel vm8, $0x510, v32  }
0x184: {  	v12 =	vsel vm6, $0x211, v12;
	v30 =	vsel vm6, $0x110, v28;
	v11 =	vsel vm7, $0x590, v11  }
0x185: {  	v13 =	vsel vm2, $0x411, v13;
	v6 =	vsel vm5, $0x190, v30;
	v11 =	vsel vm6, $0x610, v11  }
0x186: {  	v14 =	vsel vm0, $0x811, v14;
	v6 =	vsel vm4, $0x210, v6;
	v11 =	vsel vm5, $0x690, v11  }
0x187: {  	v12 =	vsel vm5, $0x291, v12;
	v6 =	vsel vm3, $0x290, v6;
	v11 =	vsel vm4, $0x710, v11  }
0x188: {  	v12 =	vsel vm4, $0x311, v12;
	v6 =	vsel vm0, $0x310, v6;
	v11 =	vsel vm3, $0x790, v11  }
0x189: {  	v57 =	vld.idx.msk [tilespmem:v21+s5+$0x0], $0xffff;
	v12 =	vsel vm3, $0x391, v12;
	v6 =	vsel vm1, $0x390, v6;
	v11 =	vsel vm0, $0x810, v11  }
0x18a: {  	v51 =	vld.idx.msk [tilespmem:v17+s5+$0x0], $0xffff;
	v12 =	vsel vm0, $0x411, v12;
	v6 =	vsel vm2, $0x410, v6;
	v11 =	vsel vm1, $0x890, v11  }
0x18b: {  	v19 =	vld.idx.msk [tilespmem:v19+s5+$0x0], $0xffff;
	v15 =	vsel vm3, $0x392, v15;
	v12 =	vsel vm1, $0x491, v12;
	v11 =	vsel vm2, $0x910, v11  }
0x18c: {  	v16 =	vld.idx.msk [tilespmem:v16+s5+$0x0], $0xffff;
	v14 =	vsel vm1, $0x891, v14;
	v15 =	vsel vm0, $0x412, v15;
	v12 =	vsel vm2, $0x511, v12  }
0x18d: {  	v20 =	vsel vm3, $0x793, v20;
	v54 =	vld.idx.msk [tilespmem:v18+s2+$0x0], $0xffff;
	v14 =	vsel vm2, $0x911, v14;
	v15 =	vsel vm1, $0x492, v15  }
0x18e: {  	v25 =	vmul.f32 v57, v61;
	v20 =	vsel vm0, $0x813, v20;
	v15 =	vsel vm2, $0x512, v15;
	v13 =	vld.idx.msk [tilespmem:v13+s5+$0x0], $0xffff  }
0x18f: {  	v44 =	vbroadcast v2, $0xC;
	v20 =	vsel vm1, $0x893, v20;
	v8 =	vadd.f32 v56, v8;
	v6 =	vld.idx.msk [tilespmem:v6+s5+$0x0], $0xffff  }
0x190: {  	v20 =	vsel vm2, $0x913, v20;
	v10 =	vadd.f32 v58, v10;
	v56 =	vbroadcast v2, $0xE;
	v11 =	vld.idx.msk [tilespmem:v11+s5+$0x0], $0xffff  }
0x191: {  	v8 =	vadd.f32 v24, v8;
	v24 =	vbroadcast v2, $0xD;
	v2 =	vbroadcast v2, $0xF;
	v12 =	vld.idx.msk [tilespmem:v12+s2+$0x0], $0xffff  }
0x192: {  	v53 =	vbroadcast v7, $0xE;
	v7 =	vbroadcast v7, $0xF;
	v14 =	vld.idx.msk [tilespmem:v14+s5+$0x0], $0xffff  }
0x193: {  	v5 =	vadd.f32 v25, v10;
	v61 =	vmul.f32 v51, v56;
	v62 =	vmul.f32 v19, v2;
	v15 =	vld.idx.msk [tilespmem:v15+s2+$0x0], $0xffff  }
0x194: {  	v9 =	vadd.f32 v31, v23;
	v60 =	vmul.f32 v16, v56;
	v6 =	vmul.f32 v6, v44  }
0x195: {  	v8 =	vadd.f32 v34, v8;
	v7 =	vmul.f32 v54, v7;
	v47 =	vmul.f32 v11, v44  }
0x196: {  	v58 =	vld.idx.msk [tilespmem:v20+s5+$0x0], $0xffff;
	v50 =	vmul.f32 v13, v24;
	v48 =	vmul.f32 v12, v45;
	v5 =	vadd.f32 v6, v5  }
0x197: {  	v52 =	vmul.f32 v14, v24;
	v49 =	vmul.f32 v12, v46;
	v4 =	vadd.f32 v47, v29  }
0x198: {  	v57 =	vmul.f32 v15, v53;
	v9 =	vadd.f32 v48, v9;
	v5 =	vadd.f32 v50, v5  }
0x199: {  	v59 =	vmul.f32 v15, v55;
	v6 =	vadd.f32 v49, v8;
	v4 =	vadd.f32 v52, v4  }
0x19a: {  	v3 =	vmul.f32 v54, v3;
	v8 =	vadd.f32 v57, v9;
	v5 =	vadd.f32 v60, v5  }
0x19b: {  	v2 =	vmul.f32 v58, v2;
	v6 =	vadd.f32 v59, v6;
	v4 =	vadd.f32 v61, v4  }
0x19c: {  	v1 =	vbroadcast v1, $0xA;
	v7 =	vadd.f32 v7, v8;
	v5 =	vadd.f32 v62, v5  }
0x19d: {  	v3 =	vadd.f32 v3, v6;
	v2 =	vadd.f32 v2, v4  }
0x19e: {  	v0 =	vadd.f32 v1, v0;
	v63 =	vadd.f32 v5, v7  }
0x19f: {  	v2 =	vadd.f32 v2, v3  }
0x1a0: {  	v1 =	vadd.f32 v63, v0  }
0x1a1: {  	v0 =	vadd.f32 v2, v0  }
0x1a2: {  	[tilespmem:$0x1400] =	vst v1  }
0x1a3: {  	s30 =	simm.s32 $0x1400;
	[tilespmem:$0x1410] =	vst v0  }
0x1a4: {  	[hbm4b:s3+s2] =	stream.linear.scatter [tilespmem:s30], [sflag:$0x2], $0xA, $0x38;
	[tilespmem:$0x1480] =	vst v63  }
0x1a5: {  	_ =	swait.ge [sflag:s4], $0xA  }
0x1a6: {  	[sflag:s4] =	ssyncset.done $0x0  }
0x1a7: {  	s31 =	simm.s32 $0x1410;
	[sflag:s4] =	ssyncadd.s32 $0xFFFFFFF6  }
0x1a8: {  	[hbm4b:s1+s2] =	stream.linear.scatter [tilespmem:s31], [sflag:$0x2], $0xA, $0x38;
	[tilespmem:$0x1480] =	vst v63  }
0x1a9: {  	_ =	swait.ge [sflag:s4], $0xA  }
0x1aa: {  	[sflag:s4] =	ssyncset.done $0x0  }
0x1ab: {  	[sflag:s4] =	ssyncadd.s32 $0xFFFFFFF6  }
.LBB2_2:
0x1ac: {  	_ =	sfence.sel $0x180000  }
0x1ad: {  	[bflag:$0x0] =	sbarrier.arrive $0xFFFF  }
0x1ae: {  	_ =	strace $0x90000047  }
0x1af: {  	s0 =	sadd.s32 @!p0 $0x100000, s0;
	[bflag:$0x2] =	sbarrier.arrive $0xFFFF  }
0x1b0: {  	[sflag:s0] =	ssyncadd.tile.s32 @!p0 $0x1;
	_ =	shalt  }
.Lfunc_end2:
_tile_overlayer_lowered:
.L_overlay_start_2:
0x1b1: {  	(tag) =	ssettag $0x2  }
0x1b2: {  	s0 =	rddreg [dreg:$0x0];
	s2 =	stileid.u32  }
0x1b3: {  	s1 =	rddreg [dreg:$0x1];
	p0 =	sne.s32 s2, $0x0  }
0x1b4: {  	s3 =	rddreg [dreg:$0x2];
	[bflag:$0x3] =	sbarrier.arrive $0xFFFF;
	s2 =	simm.s32 @!p0 $0x1C02  }
0x1b5: {  	[timem:s3], [sflag:s2] =	dma.local @!p0 [hbm:s0], s1  }
0x1b6: {  	s0 =	simm.s32 @!p0 $0x2  }
0x1b7: {  	_ =	swait.ge @!p0 [sflag:s0], s1  }
0x1b8: {  	s1 =	ssub.s32 @!p0 $0x0, s1;
	[sflag:s0] =	ssyncset.done @!p0 $0x0  }
0x1b9: {  	[sflag:s0] =	ssyncadd.s32 @!p0 s1  }
0x1ba: {  	[bflag:$0x3] =	sbarrier.arrive $0xFFFF  }
0x1bb: {  	_ =	shalt  }

</sc_bundles>
